<compile_context>
chip_gen: v7x
topology: tpu7x:2x2x1
jax: 0.10.2.dev20260603
libtpu: 0.0.44.dev20260713+nightly
codegen_flags: <defaults>
</compile_context>

<pallas_src>
import numpy as np
import jax
import jax.numpy as jnp
from jax import lax
from jax.experimental import pallas as pl
from jax.experimental.pallas import tpu as pltpu
from jax.experimental.pallas import tpu_sc as plsc

N = 10000
E = 160000
D = 256
H = 128
NT = 16
EPT = E // NT
K = 80
NCH = EPT // K
NP = 10240
RPT = NP // NT
ZR = 8
BR = 400
EPT2 = E // (2 * NT)
K2 = 128
EPT2P = 5120
NCH2 = EPT2P // K2
EPS = 1e-5



def _spmm_body(args):
    (hlo, hhi, src_h, dst_h,
     agglo, agghi,
     src_v, dst_v, buf, buf1, zbuf, agg_sh, gsem, gsem1) = args

    c = lax.axis_index("c")
    s = lax.axis_index("s")
    zero16 = jnp.zeros((16,), jnp.float32)

    def zrow(r, _):
        def zcol(j, _):
            zbuf[r, pl.ds(j * 16, 16)] = zero16
            return 0
        return lax.fori_loop(0, H // 16, zcol, 0)
    lax.fori_loop(0, ZR, zrow, 0)

    def zcopy(k, _):
        pltpu.sync_copy(zbuf, agg_sh.at[pl.ds(s * RPT + k * ZR, ZR)])
        return 0
    lax.fori_loop(0, RPT // ZR, zcopy, 0)

    pltpu.sync_copy(src_h.at[s], src_v)
    pltpu.sync_copy(dst_h.at[s], dst_v)

    plsc.subcore_barrier()

    def pair(j, _):
        i0 = 2 * j
        i1 = i0 + 1
        sl0 = pl.ds(i0 * K, K)
        sl1 = pl.ds(i1 * K, K)

        @pl.when(c == 0)
        def _():
            cp0 = pltpu.async_copy(hlo.at[src_v.at[sl0]], buf, gsem)
            cp1 = pltpu.async_copy(hlo.at[src_v.at[sl1]], buf1, gsem1)
            cp0.wait()
            pltpu.sync_copy(buf, agg_sh.at[dst_v.at[i0]], add=True)
            cp1.wait()
            pltpu.sync_copy(buf1, agg_sh.at[dst_v.at[i1]], add=True)

        @pl.when(c == 1)
        def _():
            cp0 = pltpu.async_copy(hhi.at[src_v.at[sl0]], buf, gsem)
            cp1 = pltpu.async_copy(hhi.at[src_v.at[sl1]], buf1, gsem1)
            cp0.wait()
            pltpu.sync_copy(buf, agg_sh.at[dst_v.at[i0]], add=True)
            cp1.wait()
            pltpu.sync_copy(buf1, agg_sh.at[dst_v.at[i1]], add=True)
        return 0
    lax.fori_loop(0, NCH // 2, pair, 0)

    ilast = NCH - 1
    sll = pl.ds(ilast * K, K)

    @pl.when(c == 0)
    def _():
        pltpu.async_copy(hlo.at[src_v.at[sll]], buf, gsem).wait()

    @pl.when(c == 1)
    def _():
        pltpu.async_copy(hhi.at[src_v.at[sll]], buf, gsem).wait()

    pltpu.sync_copy(buf, agg_sh.at[dst_v.at[ilast]], add=True)

    plsc.subcore_barrier()

    wsl = pl.ds(s * RPT, RPT)

    @pl.when(c == 0)
    def _():
        pltpu.sync_copy(agg_sh.at[wsl], agglo.at[wsl])

    @pl.when(c == 1)
    def _():
        pltpu.sync_copy(agg_sh.at[wsl], agghi.at[wsl])


def _make_spmm():
    mesh = plsc.VectorSubcoreMesh(core_axis_name="c", subcore_axis_name="s")
    out_type = [jax.ShapeDtypeStruct((NP, H), jnp.float32),
                jax.ShapeDtypeStruct((NP, H), jnp.float32)]
    scratch = [
        pltpu.VMEM((EPT,), jnp.int32),
        pltpu.VMEM((NCH, K), jnp.int32),
        pltpu.VMEM((K, H), jnp.float32),
        pltpu.VMEM((K, H), jnp.float32),
        pltpu.VMEM((ZR, H), jnp.float32),
        pltpu.VMEM_SHARED((NP, H), jnp.float32),
        pltpu.SemaphoreType.DMA,
        pltpu.SemaphoreType.DMA,
    ]

    def body(*args):
        _spmm_body(args)

    return pl.kernel(body, out_type=out_type, mesh=mesh,
                     scratch_types=scratch)


def _counts_body(args):
    (cidx_h, dst_h, oh_h,
     cnt_a, cnt_b,
     cidx_v, dst_v, cbuf, cbuf1, zbuf, cnt_sh, csem, csem1) = args

    c = lax.axis_index("c")
    s = lax.axis_index("s")
    zero16 = jnp.zeros((16,), jnp.float32)

    def zrow(r, _):
        def zcol(j, _):
            zbuf[r, pl.ds(j * 16, 16)] = zero16
            return 0
        return lax.fori_loop(0, H // 16, zcol, 0)
    lax.fori_loop(0, ZR, zrow, 0)

    def zcopy(k, _):
        pltpu.sync_copy(zbuf, cnt_sh.at[pl.ds(s * RPT + k * ZR, ZR)])
        return 0
    lax.fori_loop(0, RPT // ZR, zcopy, 0)

    pltpu.sync_copy(cidx_h.at[c, s], cidx_v)
    pltpu.sync_copy(dst_h.at[c, s], dst_v)

    plsc.subcore_barrier()

    def pair(j, _):
        i0 = 2 * j
        i1 = i0 + 1
        cp0 = pltpu.async_copy(oh_h.at[cidx_v.at[pl.ds(i0 * K2, K2)]],
                               cbuf, csem)
        cp1 = pltpu.async_copy(oh_h.at[cidx_v.at[pl.ds(i1 * K2, K2)]],
                               cbuf1, csem1)
        cp0.wait()
        pltpu.sync_copy(cbuf, cnt_sh.at[dst_v.at[i0]], add=True)
        cp1.wait()
        pltpu.sync_copy(cbuf1, cnt_sh.at[dst_v.at[i1]], add=True)
        return 0
    lax.fori_loop(0, NCH2 // 2, pair, 0)

    plsc.subcore_barrier()

    wsl = pl.ds(s * RPT, RPT)

    @pl.when(c == 0)
    def _():
        pltpu.sync_copy(cnt_sh.at[wsl], cnt_a.at[wsl])

    @pl.when(c == 1)
    def _():
        pltpu.sync_copy(cnt_sh.at[wsl], cnt_b.at[wsl])


def _make_counts():
    mesh = plsc.VectorSubcoreMesh(core_axis_name="c", subcore_axis_name="s")
    out_type = [jax.ShapeDtypeStruct((NP, H), jnp.float32),
                jax.ShapeDtypeStruct((NP, H), jnp.float32)]
    scratch = [
        pltpu.VMEM((EPT2P,), jnp.int32),
        pltpu.VMEM((NCH2, K2), jnp.int32),
        pltpu.VMEM((K2, H), jnp.float32),
        pltpu.VMEM((K2, H), jnp.float32),
        pltpu.VMEM((ZR, H), jnp.float32),
        pltpu.VMEM_SHARED((NP, H), jnp.float32),
        pltpu.SemaphoreType.DMA,
        pltpu.SemaphoreType.DMA,
    ]

    def body(*args):
        _counts_body(args)

    return pl.kernel(body, out_type=out_type, mesh=mesh,
                     scratch_types=scratch)



def _pre_call(x, enc_wT, mask_f, memb, alpha):
    def body(x_ref, w_ref, m_ref, e_ref, a_ref, lo_ref, hi_ref):
        xv = x_ref[...]
        av = a_ref[0, 0]
        h = jnp.where(xv >= 0.0, xv, av * xv)
        y = jnp.dot(h, w_ref[...], preferred_element_type=jnp.float32,
                    precision=lax.Precision.HIGHEST)
        m = m_ref[...]
        y = y + m * (e_ref[...] - y)
        lo_ref[...] = y[:, :H]
        hi_ref[...] = y[:, H:]

    return pl.pallas_call(
        body,
        grid=(N // BR,),
        in_specs=[
            pl.BlockSpec((BR, D), lambda i: (i, 0)),
            pl.BlockSpec((D, D), lambda i: (0, 0)),
            pl.BlockSpec((BR, 1), lambda i: (i, 0)),
            pl.BlockSpec((1, D), lambda i: (0, 0)),
            pl.BlockSpec((1, 1), lambda i: (0, 0)),
        ],
        out_specs=[
            pl.BlockSpec((BR, H), lambda i: (i, 0)),
            pl.BlockSpec((BR, H), lambda i: (i, 0)),
        ],
        out_shape=[
            jax.ShapeDtypeStruct((N, H), jnp.float32),
            jax.ShapeDtypeStruct((N, H), jnp.float32),
        ],
    )(x, enc_wT, mask_f, memb, alpha)


def _mlp_call(agg_lo, agg_hi, cnt_a, cnt_b, emb, w1T, b1, w2T, b2):
    def body(lo_ref, hi_ref, ca_ref, cb_ref, e_ref, w1_ref, b1_ref, w2_ref,
             b2_ref, y_ref, ps_ref):
        agg = jnp.concatenate([lo_ref[...], hi_ref[...]], axis=1)
        agg = agg + jnp.dot(ca_ref[...] + cb_ref[...], e_ref[...],
                            preferred_element_type=jnp.float32,
                            precision=lax.Precision.HIGHEST)
        t = jnp.dot(agg, w1_ref[...], preferred_element_type=jnp.float32,
                    precision=lax.Precision.HIGHEST) + b1_ref[...]
        t = jnp.maximum(t, 0.0)
        y = jnp.dot(t, w2_ref[...], preferred_element_type=jnp.float32,
                    precision=lax.Precision.HIGHEST) + b2_ref[...]
        y_ref[...] = y

        @pl.when(pl.program_id(0) == 0)
        def _():
            ps_ref[...] = jnp.zeros_like(ps_ref)
        ps_ref[...] += jnp.concatenate(
            [jnp.sum(y, axis=0, keepdims=True),
             jnp.sum(y * y, axis=0, keepdims=True)], axis=0)

    return pl.pallas_call(
        body,
        grid=(N // BR,),
        in_specs=[
            pl.BlockSpec((BR, H), lambda i: (i, 0)),
            pl.BlockSpec((BR, H), lambda i: (i, 0)),
            pl.BlockSpec((BR, H), lambda i: (i, 0)),
            pl.BlockSpec((BR, H), lambda i: (i, 0)),
            pl.BlockSpec((H, D), lambda i: (0, 0)),
            pl.BlockSpec((D, 2 * D), lambda i: (0, 0)),
            pl.BlockSpec((1, 2 * D), lambda i: (0, 0)),
            pl.BlockSpec((2 * D, D), lambda i: (0, 0)),
            pl.BlockSpec((1, D), lambda i: (0, 0)),
        ],
        out_specs=[
            pl.BlockSpec((BR, D), lambda i: (i, 0)),
            pl.BlockSpec((2, D), lambda i: (0, 0)),
        ],
        out_shape=[
            jax.ShapeDtypeStruct((N, D), jnp.float32),
            jax.ShapeDtypeStruct((2, D), jnp.float32),
        ],
    )(agg_lo, agg_hi, cnt_a, cnt_b, emb, w1T, b1, w2T, b2)


def _bn_call(y, ps, g, be, relu, split):
    def body(y_ref, ps_ref, g_ref, b_ref, *outs):
        mean = ps_ref[0:1, :] * (1.0 / N)
        var = ps_ref[1:2, :] * (1.0 / N) - mean * mean
        inv = g_ref[...] * lax.rsqrt(var + EPS)
        yv = (y_ref[...] - mean) * inv + b_ref[...]
        if relu:
            yv = jnp.maximum(yv, 0.0)
        if split:
            outs[0][...] = yv[:, :H]
            outs[1][...] = yv[:, H:]
        else:
            outs[0][...] = yv

    if split:
        out_specs = [pl.BlockSpec((BR, H), lambda i: (i, 0)),
                     pl.BlockSpec((BR, H), lambda i: (i, 0))]
        out_shape = [jax.ShapeDtypeStruct((N, H), jnp.float32),
                     jax.ShapeDtypeStruct((N, H), jnp.float32)]
    else:
        out_specs = [pl.BlockSpec((BR, D), lambda i: (i, 0))]
        out_shape = [jax.ShapeDtypeStruct((N, D), jnp.float32)]

    return pl.pallas_call(
        body,
        grid=(N // BR,),
        in_specs=[
            pl.BlockSpec((BR, D), lambda i: (i, 0)),
            pl.BlockSpec((2, D), lambda i: (0, 0)),
            pl.BlockSpec((1, D), lambda i: (0, 0)),
            pl.BlockSpec((1, D), lambda i: (0, 0)),
        ],
        out_specs=out_specs,
        out_shape=out_shape,
    )(y, ps, g, be)



def kernel(x, edge_index, edge_attr, masked_tokens, batch, enc_w, prelu_w,
           mask_embed, e1_0, e2_0, w1_0, b1_0, w2_0, b2_0, g_0, be_0,
           e1_1, e2_1, w1_1, b1_1, w2_1, b2_1, g_1, be_1):
    ei = edge_index.astype(jnp.int32)
    ea = edge_attr.astype(jnp.int32)
    src = ei[0].reshape(NT, EPT)
    dst = ei[1].reshape(NT, NCH, K)
    dst2 = jnp.pad(ei[1].reshape(2, NT, EPT2),
                   ((0, 0), (0, 0), (0, EPT2P - EPT2)),
                   constant_values=NP - 1).reshape(2, NT, NCH2, K2)

    oh_np = np.zeros((9, H), np.float32)
    for a0 in range(3):
        for a1 in range(3):
            oh_np[a0 * 3 + a1, a0] = 1.0
            oh_np[a0 * 3 + a1, 3 + a1] = 1.0
    oh = jnp.asarray(np.tile(oh_np, (128, 1)))
    rep = (jnp.arange(E, dtype=jnp.int32) % 128) * 9
    cidx = jnp.pad((ea[:, 0] * 3 + ea[:, 1] + rep).reshape(2, NT, EPT2),
                   ((0, 0), (0, 0), (0, EPT2P - EPT2)))

    mask_f = masked_tokens.astype(jnp.float32).reshape(N, 1)
    alpha = prelu_w.reshape(1, 1).astype(jnp.float32)
    memb = mask_embed.reshape(1, D)

    cnt_a, cnt_b = _make_counts()(cidx, dst2, oh)
    cnt_a = cnt_a[:N]
    cnt_b = cnt_b[:N]

    h_lo, h_hi = _pre_call(x, enc_w.T, mask_f, memb, alpha)

    agg_lo, agg_hi = _make_spmm()(h_lo, h_hi, src, dst)
    agg_lo = agg_lo[:N]
    agg_hi = agg_hi[:N]

    emb0 = jnp.concatenate(
        [e1_0[:3], e2_0[:3], jnp.zeros((H - 6, D), jnp.float32)], axis=0)
    y0, ps0 = _mlp_call(agg_lo, agg_hi, cnt_a, cnt_b, emb0, w1_0.T,
                        b1_0.reshape(1, -1), w2_0.T, b2_0.reshape(1, -1))
    h1_lo, h1_hi = _bn_call(y0, ps0, g_0.reshape(1, -1), be_0.reshape(1, -1),
                            relu=True, split=True)

    agg1_lo, agg1_hi = _make_spmm()(h1_lo, h1_hi, src, dst)
    agg1_lo = agg1_lo[:N]
    agg1_hi = agg1_hi[:N]

    emb1 = jnp.concatenate(
        [e1_1[:3], e2_1[:3], jnp.zeros((H - 6, D), jnp.float32)], axis=0)
    y1, ps1 = _mlp_call(agg1_lo, agg1_hi, cnt_a, cnt_b, emb1, w1_1.T,
                        b1_1.reshape(1, -1), w2_1.T, b2_1.reshape(1, -1))
    (out,) = _bn_call(y1, ps1, g_1.reshape(1, -1), be_1.reshape(1, -1),
                      relu=False, split=False)
    return out

# --- scband reference (transcript-rebuilt; emitter-appended) ---
"""Pipeline reference for scband-gnndecoder-v3-50955491999986 (READ-ONLY COPY).

The authoritative reference and input builder live on the scoring server;
editing this copy changes nothing except your own understanding.
"""

import jax, jax.numpy as jnp
import numpy as np

N = 10000
E = 160000
D = 256


def _gin_conv(x, edge_index, edge_attr, e1, e2, w1, b1, w2, b2):
    edge_emb = e1[edge_attr[:, 0]] + e2[edge_attr[:, 1]]
    msg = x[edge_index[0]] + edge_emb
    agg = jax.ops.segment_sum(msg, edge_index[1], num_segments=x.shape[0])
    h = agg @ w1.T + b1
    h = jnp.maximum(h, 0.0)
    return h @ w2.T + b2


def _batchnorm(x, gamma, beta, eps=1e-5):
    mean = jnp.mean(x, axis=0)
    var = jnp.var(x, axis=0)
    return gamma * (x - mean) / jnp.sqrt(var + eps) + beta


def setup_inputs(seed: int = 0) -> dict:
    key = jax.random.key(seed)
    ks = jax.random.split(key, 32)
    inp = {}
    inp["x"] = jax.random.normal(ks[0], (N, D), dtype=jnp.float32)
    inp["edge_index"] = jax.random.randint(ks[1], (2, E), 0, N, dtype=jnp.int64 if jax.config.jax_enable_x64 else jnp.int32)
    inp["edge_attr"] = jax.random.randint(ks[2], (E, 2), 0, 3, dtype=jnp.int64 if jax.config.jax_enable_x64 else jnp.int32)
    inp["masked_tokens"] = jax.random.randint(ks[3], (N,), 0, 2).astype(bool)
    inp["batch"] = jnp.sort(jax.random.randint(ks[4], (N,), 0, 512))
    # learned params
    inp["enc_w"] = jax.random.normal(ks[5], (D, D), dtype=jnp.float32) * (1.0 / np.sqrt(D))
    inp["prelu_w"] = jnp.array(0.25, dtype=jnp.float32)
    inp["mask_embed"] = jax.random.normal(ks[6], (1, D), dtype=jnp.float32) * 0.02
    for li in range(2):
        base = 7 + li * 8
        inp[f"e1_{li}"] = jax.random.normal(ks[base + 0], (6, D), dtype=jnp.float32) * 0.1
        inp[f"e2_{li}"] = jax.random.normal(ks[base + 1], (3, D), dtype=jnp.float32) * 0.1
        inp[f"w1_{li}"] = jax.random.normal(ks[base + 2], (2 * D, D), dtype=jnp.float32) * (1.0 / np.sqrt(D))
        inp[f"b1_{li}"] = jnp.zeros((2 * D,), dtype=jnp.float32)
        inp[f"w2_{li}"] = jax.random.normal(ks[base + 3], (D, 2 * D), dtype=jnp.float32) * (1.0 / np.sqrt(2 * D))
        inp[f"b2_{li}"] = jnp.zeros((D,), dtype=jnp.float32)
        inp[f"g_{li}"] = jnp.ones((D,), dtype=jnp.float32)
        inp[f"be_{li}"] = jnp.zeros((D,), dtype=jnp.float32)
    return inp


def reference(x, edge_index, edge_attr, masked_tokens, batch, enc_w, prelu_w, mask_embed,
              e1_0, e2_0, w1_0, b1_0, w2_0, b2_0, g_0, be_0,
              e1_1, e2_1, w1_1, b1_1, w2_1, b2_1, g_1, be_1):
    # PReLU activation
    h = jnp.where(x >= 0, x, prelu_w * x)
    # enc_to_dec linear (no bias)
    h = h @ enc_w.T
    # replace masked tokens with mask embedding
    h = jnp.where(masked_tokens[:, None], mask_embed, h)
    # GNN layer 0: GINConv -> BN -> ReLU (dropout p=0)
    h = _gin_conv(h, edge_index, edge_attr, e1_0, e2_0, w1_0, b1_0, w2_0, b2_0)
    h = _batchnorm(h, g_0, be_0)
    h = jnp.maximum(h, 0.0)
    # GNN layer 1: GINConv -> BN (last layer, no ReLU)
    h = _gin_conv(h, edge_index, edge_attr, e1_1, e2_1, w1_1, b1_1, w2_1, b2_1)
    h = _batchnorm(h, g_1, be_1)
    return h

if __name__ == "__main__":
    import jax
    _d = setup_inputs()
    print(jax.jit(kernel)(*tuple(_d.values())))

</pallas_src>

<mosaic_0001>
#map = affine_map<(d0, d1) -> (0, 0)>
#map1 = affine_map<(d0, d1) -> (0, 0, 0)>
module attributes {stable_mosaic.version = 14 : i64} {
  func.func @body(%arg0: i32, %arg1: i32, %arg2: memref<10000x128xf32, #tpu.memory_space<hbm>>, %arg3: memref<10000x128xf32, #tpu.memory_space<hbm>>, %arg4: memref<16x10000xi32, #tpu.memory_space<hbm>>, %arg5: memref<16x125x80xi32, #tpu.memory_space<hbm>>, %arg6: memref<10240x128xf32, #tpu.memory_space<hbm>>, %arg7: memref<10240x128xf32, #tpu.memory_space<hbm>>, %arg8: memref<10000xi32, #tpu.memory_space<vmem>>, %arg9: memref<125x80xi32, #tpu.memory_space<vmem>>, %arg10: memref<80x128xf32, #tpu.memory_space<vmem>>, %arg11: memref<80x128xf32, #tpu.memory_space<vmem>>, %arg12: memref<8x128xf32, #tpu.memory_space<vmem>>, %arg13: memref<10240x128xf32, #tpu.memory_space<vmem_shared>>, %arg14: memref<!tpu.dma_semaphore, #tpu.memory_space<semaphore_mem>>, %arg15: memref<!tpu.dma_semaphore, #tpu.memory_space<semaphore_mem>>) attributes {dimension_semantics = [#tpu.dimension_semantics<core_parallel>, #tpu.dimension_semantics<subcore_parallel>], iteration_bounds = array<i64: 2, 16>, scalar_prefetch = 0 : i64, scratch_operands = 8 : i64, tpu.core_type = #tpu.core_type<sc_vector_subcore>, window_params = [{transform_indices = #map}, {transform_indices = #map}, {transform_indices = #map}, {transform_indices = #map1}, {transform_indices = #map}, {transform_indices = #map}]} {
    %broadcast_in_dim3A = arith.constant 0.000000e+00 : f32
    %broadcast_in_dim3A_0 = vector.broadcast %broadcast_in_dim3A : f32 to vector<16xf32>
    %scan3A = arith.constant 0 : i32
    %scan3A_1 = arith.constant 0 : i32
    %scan3A_2 = arith.constant 8 : i32
    %scan3A_3 = arith.addi %scan3A_1, %scan3A_2 : i32
    %scan3A_4 = arith.constant 1 : i32
    %scan3A_5 = scf.for %scan3A_40 = %scan3A_1 to %scan3A_3 step %scan3A_4 iter_args(%scan3A_41 = %scan3A) -> (i32)  : i32 {
      %scan3A_42 = arith.constant 0 : i32
      %scan3A_43 = arith.constant 0 : i32
      %scan3A_44 = arith.constant 8 : i32
      %scan3A_45 = arith.addi %scan3A_43, %scan3A_44 : i32
      %scan3A_46 = arith.constant 1 : i32
      %scan3A_47 = scf.for %scan3A_49 = %scan3A_43 to %scan3A_45 step %scan3A_46 iter_args(%scan3A_50 = %scan3A_42) -> (i32)  : i32 {
        %mul3A_51 = arith.constant 16 : i32
        %mul3A_52 = arith.muli %scan3A_49, %mul3A_51 : i32
        %swap3A = arith.index_cast %scan3A_40 : i32 to index
        %swap3A_53 = arith.index_cast %mul3A_52 : i32 to index
        %swap3A_54 = tpu.vector_load %arg12[%swap3A, %swap3A_53] {strides = array<i32>} : memref<8x128xf32, #tpu.memory_space<vmem>>, vector<1x16xf32>,
        %swap3A_55 = vector.shape_cast %swap3A_54 : vector<1x16xf32> to vector<16xf32>
        %swap3A_56 = vector.shape_cast %broadcast_in_dim3A_0 : vector<16xf32> to vector<1x16xf32>
        tpu.vector_store %arg12[%swap3A, %swap3A_53], %swap3A_56 {strides = array<i32>} : memref<8x128xf32, #tpu.memory_space<vmem>>, vector<1x16xf32>,
        %scan3A_57 = arith.constant 0 : i32
        scf.yield %scan3A_57 : i32
      }
      %scan3A_48 = arith.constant 8 : i32
      scf.yield %scan3A_47 : i32
    }
    %scan3A_6 = arith.constant 8 : i32
    %scan3A_7 = arith.constant 0 : i32
    %scan3A_8 = arith.constant 0 : i32
    %scan3A_9 = arith.constant 80 : i32
    %scan3A_10 = arith.addi %scan3A_8, %scan3A_9 : i32
    %scan3A_11 = arith.constant 1 : i32
    %scan3A_12 = scf.for %scan3A_40 = %scan3A_8 to %scan3A_10 step %scan3A_11 iter_args(%scan3A_41 = %scan3A_7) -> (i32)  : i32 {
      %mul3A_42 = arith.constant 640 : i32
      %mul3A_43 = arith.muli %arg1, %mul3A_42 : i32
      %mul3A_44 = arith.constant 8 : i32
      %mul3A_45 = arith.muli %scan3A_40, %mul3A_44 : i32
      %add3A = arith.addi %mul3A_43, %mul3A_45 : i32
      "tpu.region"() ({
        %run_scoped3A_47 = tpu.sem_alloc : memref<!tpu.dma_semaphore, #tpu.memory_space<semaphore_mem>>
        %dma_start3A = arith.constant 0 : i32
        %dma_start3A_48 = tpu.memref_slice %arg13[%add3A, %dma_start3A] : memref<10240x128xf32, #tpu.memory_space<vmem_shared>> -> memref<8x128xf32, #tpu.memory_space<vmem_shared>>
        %dma_start3A_49 = arith.constant 0 : i32
        %dma_start3A_50 = tpu.memref_slice %arg13[%add3A, %dma_start3A_49] : memref<10240x128xf32, #tpu.memory_space<vmem_shared>> -> memref<8x128xf32, #tpu.memory_space<vmem_shared>>
        tpu.enqueue_dma source(%arg12 : memref<8x128xf32, #tpu.memory_space<vmem>>) target(%dma_start3A_50 : memref<8x128xf32, #tpu.memory_space<vmem_shared>>) target_semaphore(%run_scoped3A_47 : memref<!tpu.dma_semaphore, #tpu.memory_space<semaphore_mem>>)
        %dma_wait3A = arith.constant 0 : i32
        %dma_wait3A_51 = tpu.memref_slice %arg13[%add3A, %dma_wait3A] : memref<10240x128xf32, #tpu.memory_space<vmem_shared>> -> memref<8x128xf32, #tpu.memory_space<vmem_shared>>
        %dma_wait3A_52 = arith.constant 0 : i32
        %dma_wait3A_53 = tpu.memref_slice %arg13[%add3A, %dma_wait3A_52] : memref<10240x128xf32, #tpu.memory_space<vmem_shared>> -> memref<8x128xf32, #tpu.memory_space<vmem_shared>>
        tpu.wait_dma2 semaphore(%run_scoped3A_47 : memref<!tpu.dma_semaphore, #tpu.memory_space<semaphore_mem>>) src(%arg12 : memref<8x128xf32, #tpu.memory_space<vmem>>) dst(%dma_wait3A_53 : memref<8x128xf32, #tpu.memory_space<vmem_shared>>)
        tpu.yield
      }) : () -> ()
      %scan3A_46 = arith.constant 0 : i32
      scf.yield %scan3A_46 : i32
    }
    %scan3A_13 = arith.constant 80 : i32
    "tpu.region"() ({
      %run_scoped3A_40 = tpu.sem_alloc : memref<!tpu.dma_semaphore, #tpu.memory_space<semaphore_mem>>
      %dma_start3A = arith.constant 0 : i32
      %dma_start3A_41 = tpu.memref_slice %arg4[%arg1, %dma_start3A] : memref<16x10000xi32, #tpu.memory_space<hbm>> -> memref<1x10000xi32, #tpu.memory_space<hbm>>
      %dma_start3A_42 = tpu.memref_squeeze %dma_start3A_41 : memref<1x10000xi32, #tpu.memory_space<hbm>> -> memref<10000xi32, #tpu.memory_space<hbm>>
      %dma_start3A_43 = arith.constant 0 : i32
      %dma_start3A_44 = tpu.memref_slice %arg4[%arg1, %dma_start3A_43] : memref<16x10000xi32, #tpu.memory_space<hbm>> -> memref<1x10000xi32, #tpu.memory_space<hbm>>
      %dma_start3A_45 = tpu.memref_squeeze %dma_start3A_44 : memref<1x10000xi32, #tpu.memory_space<hbm>> -> memref<10000xi32, #tpu.memory_space<hbm>>
      tpu.enqueue_dma source(%dma_start3A_45 : memref<10000xi32, #tpu.memory_space<hbm>>) target(%arg8 : memref<10000xi32, #tpu.memory_space<vmem>>) target_semaphore(%run_scoped3A_40 : memref<!tpu.dma_semaphore, #tpu.memory_space<semaphore_mem>>)
      %dma_wait3A = arith.constant 0 : i32
      %dma_wait3A_46 = tpu.memref_slice %arg4[%arg1, %dma_wait3A] : memref<16x10000xi32, #tpu.memory_space<hbm>> -> memref<1x10000xi32, #tpu.memory_space<hbm>>
      %dma_wait3A_47 = tpu.memref_squeeze %dma_wait3A_46 : memref<1x10000xi32, #tpu.memory_space<hbm>> -> memref<10000xi32, #tpu.memory_space<hbm>>
      %dma_wait3A_48 = arith.constant 0 : i32
      %dma_wait3A_49 = tpu.memref_slice %arg4[%arg1, %dma_wait3A_48] : memref<16x10000xi32, #tpu.memory_space<hbm>> -> memref<1x10000xi32, #tpu.memory_space<hbm>>
      %dma_wait3A_50 = tpu.memref_squeeze %dma_wait3A_49 : memref<1x10000xi32, #tpu.memory_space<hbm>> -> memref<10000xi32, #tpu.memory_space<hbm>>
      tpu.wait_dma2 semaphore(%run_scoped3A_40 : memref<!tpu.dma_semaphore, #tpu.memory_space<semaphore_mem>>) src(%dma_wait3A_50 : memref<10000xi32, #tpu.memory_space<hbm>>) dst(%arg8 : memref<10000xi32, #tpu.memory_space<vmem>>)
      tpu.yield
    }) : () -> ()
    "tpu.region"() ({
      %run_scoped3A_40 = tpu.sem_alloc : memref<!tpu.dma_semaphore, #tpu.memory_space<semaphore_mem>>
      %dma_start3A = arith.constant 0 : i32
      %dma_start3A_41 = arith.constant 0 : i32
      %dma_start3A_42 = tpu.memref_slice %arg5[%arg1, %dma_start3A, %dma_start3A_41] : memref<16x125x80xi32, #tpu.memory_space<hbm>> -> memref<1x125x80xi32, #tpu.memory_space<hbm>>
      %dma_start3A_43 = tpu.memref_squeeze %dma_start3A_42 : memref<1x125x80xi32, #tpu.memory_space<hbm>> -> memref<125x80xi32, #tpu.memory_space<hbm>>
      %dma_start3A_44 = arith.constant 0 : i32
      %dma_start3A_45 = arith.constant 0 : i32
      %dma_start3A_46 = tpu.memref_slice %arg5[%arg1, %dma_start3A_44, %dma_start3A_45] : memref<16x125x80xi32, #tpu.memory_space<hbm>> -> memref<1x125x80xi32, #tpu.memory_space<hbm>>
      %dma_start3A_47 = tpu.memref_squeeze %dma_start3A_46 : memref<1x125x80xi32, #tpu.memory_space<hbm>> -> memref<125x80xi32, #tpu.memory_space<hbm>>
      tpu.enqueue_dma source(%dma_start3A_47 : memref<125x80xi32, #tpu.memory_space<hbm>>) target(%arg9 : memref<125x80xi32, #tpu.memory_space<vmem>>) target_semaphore(%run_scoped3A_40 : memref<!tpu.dma_semaphore, #tpu.memory_space<semaphore_mem>>)
      %dma_wait3A = arith.constant 0 : i32
      %dma_wait3A_48 = arith.constant 0 : i32
      %dma_wait3A_49 = tpu.memref_slice %arg5[%arg1, %dma_wait3A, %dma_wait3A_48] : memref<16x125x80xi32, #tpu.memory_space<hbm>> -> memref<1x125x80xi32, #tpu.memory_space<hbm>>
      %dma_wait3A_50 = tpu.memref_squeeze %dma_wait3A_49 : memref<1x125x80xi32, #tpu.memory_space<hbm>> -> memref<125x80xi32, #tpu.memory_space<hbm>>
      %dma_wait3A_51 = arith.constant 0 : i32
      %dma_wait3A_52 = arith.constant 0 : i32
      %dma_wait3A_53 = tpu.memref_slice %arg5[%arg1, %dma_wait3A_51, %dma_wait3A_52] : memref<16x125x80xi32, #tpu.memory_space<hbm>> -> memref<1x125x80xi32, #tpu.memory_space<hbm>>
      %dma_wait3A_54 = tpu.memref_squeeze %dma_wait3A_53 : memref<1x125x80xi32, #tpu.memory_space<hbm>> -> memref<125x80xi32, #tpu.memory_space<hbm>>
      tpu.wait_dma2 semaphore(%run_scoped3A_40 : memref<!tpu.dma_semaphore, #tpu.memory_space<semaphore_mem>>) src(%dma_wait3A_54 : memref<125x80xi32, #tpu.memory_space<hbm>>) dst(%arg9 : memref<125x80xi32, #tpu.memory_space<vmem>>)
      tpu.yield
    }) : () -> ()
    %barrier3A = arith.constant 0 : index
    tpu.barrier barrier_id(%barrier3A)
    %scan3A_14 = arith.constant 0 : i32
    %scan3A_15 = arith.constant 0 : i32
    %scan3A_16 = arith.constant 62 : i32
    %scan3A_17 = arith.addi %scan3A_15, %scan3A_16 : i32
    %scan3A_18 = arith.constant 1 : i32
    %scan3A_19 = scf.for %scan3A_40 = %scan3A_15 to %scan3A_17 step %scan3A_18 iter_args(%scan3A_41 = %scan3A_14) -> (i32)  : i32 {
      %mul3A_42 = arith.constant 2 : i32
      %mul3A_43 = arith.muli %mul3A_42, %scan3A_40 : i32
      %add3A = arith.constant 1 : i32
      %add3A_44 = arith.addi %mul3A_43, %add3A : i32
      %mul3A_45 = arith.constant 80 : i32
      %mul3A_46 = arith.muli %mul3A_43, %mul3A_45 : i32
      %mul3A_47 = arith.constant 80 : i32
      %mul3A_48 = arith.muli %add3A_44, %mul3A_47 : i32
      %eq3A_49 = arith.constant 0 : i32
      %eq3A_50 = arith.cmpi eq, %arg0, %eq3A_49 : i32
      %convert_element_type3A_51 = arith.extui %eq3A_50 : i1 to i32
      %cond3A_52 = arith.constant 0 : i32
      %cond3A_53 = arith.cmpi ne, %convert_element_type3A_51, %cond3A_52 : i32
      scf.if %cond3A_53 {
        %dma_start3A = tpu.memref_slice %arg8[%mul3A_46] : memref<10000xi32, #tpu.memory_space<vmem>> -> memref<80xi32, #tpu.memory_space<vmem>>
        %dma_start3A_60 = arith.constant 0 : i32
        %dma_start3A_61 = arith.constant 0 : i32
        %dma_start3A_62 = tpu.memref_slice %arg2[%dma_start3A_60, %dma_start3A_61] : memref<10000x128xf32, #tpu.memory_space<hbm>> -> memref<10000x128xf32, #tpu.memory_space<hbm>>
        tpu.enqueue_indirect_dma source(%dma_start3A_62 : memref<10000x128xf32, #tpu.memory_space<hbm>>) target(%arg10 : memref<80x128xf32, #tpu.memory_space<vmem>>) offsets(%dma_start3A : memref<80xi32, #tpu.memory_space<vmem>>) semaphore(%arg14 : memref<!tpu.dma_semaphore, #tpu.memory_space<semaphore_mem>>)
        %dma_start3A_63 = tpu.memref_slice %arg8[%mul3A_48] : memref<10000xi32, #tpu.memory_space<vmem>> -> memref<80xi32, #tpu.memory_space<vmem>>
        %dma_start3A_64 = arith.constant 0 : i32
        %dma_start3A_65 = arith.constant 0 : i32
        %dma_start3A_66 = tpu.memref_slice %arg2[%dma_start3A_64, %dma_start3A_65] : memref<10000x128xf32, #tpu.memory_space<hbm>> -> memref<10000x128xf32, #tpu.memory_space<hbm>>
        tpu.enqueue_indirect_dma source(%dma_start3A_66 : memref<10000x128xf32, #tpu.memory_space<hbm>>) target(%arg11 : memref<80x128xf32, #tpu.memory_space<vmem>>) offsets(%dma_start3A_63 : memref<80xi32, #tpu.memory_space<vmem>>) semaphore(%arg15 : memref<!tpu.dma_semaphore, #tpu.memory_space<semaphore_mem>>)
        %dma_wait3A = tpu.memref_slice %arg8[%mul3A_46] : memref<10000xi32, #tpu.memory_space<vmem>> -> memref<80xi32, #tpu.memory_space<vmem>>
        %dma_wait3A_67 = arith.constant 0 : i32
        %dma_wait3A_68 = arith.constant 0 : i32
        %dma_wait3A_69 = tpu.memref_slice %arg2[%dma_wait3A_67, %dma_wait3A_68] : memref<10000x128xf32, #tpu.memory_space<hbm>> -> memref<10000x128xf32, #tpu.memory_space<hbm>>
        tpu.wait_indirect_dma semaphore(%arg14 : memref<!tpu.dma_semaphore, #tpu.memory_space<semaphore_mem>>) src(%dma_wait3A_69 : memref<10000x128xf32, #tpu.memory_space<hbm>>) dst(%arg10 : memref<80x128xf32, #tpu.memory_space<vmem>>)
        "tpu.region"() ({
          %run_scoped3A_74 = tpu.sem_alloc : memref<!tpu.dma_semaphore, #tpu.memory_space<semaphore_mem>>
          %dma_start3A_75 = arith.constant 0 : i32
          %dma_start3A_76 = tpu.memref_slice %arg9[%mul3A_43, %dma_start3A_75] : memref<125x80xi32, #tpu.memory_space<vmem>> -> memref<1x80xi32, #tpu.memory_space<vmem>>
          %dma_start3A_77 = tpu.memref_squeeze %dma_start3A_76 : memref<1x80xi32, #tpu.memory_space<vmem>> -> memref<80xi32, #tpu.memory_space<vmem>>
          %dma_start3A_78 = arith.constant 0 : i32
          %dma_start3A_79 = arith.constant 0 : i32
          %dma_start3A_80 = tpu.memref_slice %arg13[%dma_start3A_78, %dma_start3A_79] : memref<10240x128xf32, #tpu.memory_space<vmem_shared>> -> memref<10240x128xf32, #tpu.memory_space<vmem_shared>>
          tpu.enqueue_indirect_dma source(%arg10 : memref<80x128xf32, #tpu.memory_space<vmem>>) target(%dma_start3A_80 : memref<10240x128xf32, #tpu.memory_space<vmem_shared>>) offsets(%dma_start3A_77 : memref<80xi32, #tpu.memory_space<vmem>>) semaphore(%run_scoped3A_74 : memref<!tpu.dma_semaphore, #tpu.memory_space<semaphore_mem>>) {add = true}
          %dma_wait3A_81 = arith.constant 0 : i32
          %dma_wait3A_82 = tpu.memref_slice %arg9[%mul3A_43, %dma_wait3A_81] : memref<125x80xi32, #tpu.memory_space<vmem>> -> memref<1x80xi32, #tpu.memory_space<vmem>>
          %dma_wait3A_83 = tpu.memref_squeeze %dma_wait3A_82 : memref<1x80xi32, #tpu.memory_space<vmem>> -> memref<80xi32, #tpu.memory_space<vmem>>
          %dma_wait3A_84 = arith.constant 0 : i32
          %dma_wait3A_85 = arith.constant 0 : i32
          %dma_wait3A_86 = tpu.memref_slice %arg13[%dma_wait3A_84, %dma_wait3A_85] : memref<10240x128xf32, #tpu.memory_space<vmem_shared>> -> memref<10240x128xf32, #tpu.memory_space<vmem_shared>>
          tpu.wait_indirect_dma semaphore(%run_scoped3A_74 : memref<!tpu.dma_semaphore, #tpu.memory_space<semaphore_mem>>) src(%arg10 : memref<80x128xf32, #tpu.memory_space<vmem>>) dst(%dma_wait3A_86 : memref<10240x128xf32, #tpu.memory_space<vmem_shared>>)
          tpu.yield
        }) : () -> ()
        %dma_wait3A_70 = tpu.memref_slice %arg8[%mul3A_48] : memref<10000xi32, #tpu.memory_space<vmem>> -> memref<80xi32, #tpu.memory_space<vmem>>
        %dma_wait3A_71 = arith.constant 0 : i32
        %dma_wait3A_72 = arith.constant 0 : i32
        %dma_wait3A_73 = tpu.memref_slice %arg2[%dma_wait3A_71, %dma_wait3A_72] : memref<10000x128xf32, #tpu.memory_space<hbm>> -> memref<10000x128xf32, #tpu.memory_space<hbm>>
        tpu.wait_indirect_dma semaphore(%arg15 : memref<!tpu.dma_semaphore, #tpu.memory_space<semaphore_mem>>) src(%dma_wait3A_73 : memref<10000x128xf32, #tpu.memory_space<hbm>>) dst(%arg11 : memref<80x128xf32, #tpu.memory_space<vmem>>)
        "tpu.region"() ({
          %run_scoped3A_74 = tpu.sem_alloc : memref<!tpu.dma_semaphore, #tpu.memory_space<semaphore_mem>>
          %dma_start3A_75 = arith.constant 0 : i32
          %dma_start3A_76 = tpu.memref_slice %arg9[%add3A_44, %dma_start3A_75] : memref<125x80xi32, #tpu.memory_space<vmem>> -> memref<1x80xi32, #tpu.memory_space<vmem>>
          %dma_start3A_77 = tpu.memref_squeeze %dma_start3A_76 : memref<1x80xi32, #tpu.memory_space<vmem>> -> memref<80xi32, #tpu.memory_space<vmem>>
          %dma_start3A_78 = arith.constant 0 : i32
          %dma_start3A_79 = arith.constant 0 : i32
          %dma_start3A_80 = tpu.memref_slice %arg13[%dma_start3A_78, %dma_start3A_79] : memref<10240x128xf32, #tpu.memory_space<vmem_shared>> -> memref<10240x128xf32, #tpu.memory_space<vmem_shared>>
          tpu.enqueue_indirect_dma source(%arg11 : memref<80x128xf32, #tpu.memory_space<vmem>>) target(%dma_start3A_80 : memref<10240x128xf32, #tpu.memory_space<vmem_shared>>) offsets(%dma_start3A_77 : memref<80xi32, #tpu.memory_space<vmem>>) semaphore(%run_scoped3A_74 : memref<!tpu.dma_semaphore, #tpu.memory_space<semaphore_mem>>) {add = true}
          %dma_wait3A_81 = arith.constant 0 : i32
          %dma_wait3A_82 = tpu.memref_slice %arg9[%add3A_44, %dma_wait3A_81] : memref<125x80xi32, #tpu.memory_space<vmem>> -> memref<1x80xi32, #tpu.memory_space<vmem>>
          %dma_wait3A_83 = tpu.memref_squeeze %dma_wait3A_82 : memref<1x80xi32, #tpu.memory_space<vmem>> -> memref<80xi32, #tpu.memory_space<vmem>>
          %dma_wait3A_84 = arith.constant 0 : i32
          %dma_wait3A_85 = arith.constant 0 : i32
          %dma_wait3A_86 = tpu.memref_slice %arg13[%dma_wait3A_84, %dma_wait3A_85] : memref<10240x128xf32, #tpu.memory_space<vmem_shared>> -> memref<10240x128xf32, #tpu.memory_space<vmem_shared>>
          tpu.wait_indirect_dma semaphore(%run_scoped3A_74 : memref<!tpu.dma_semaphore, #tpu.memory_space<semaphore_mem>>) src(%arg11 : memref<80x128xf32, #tpu.memory_space<vmem>>) dst(%dma_wait3A_86 : memref<10240x128xf32, #tpu.memory_space<vmem_shared>>)
          tpu.yield
        }) : () -> ()
      } else {
      }
      %eq3A_54 = arith.constant 1 : i32
      %eq3A_55 = arith.cmpi eq, %arg0, %eq3A_54 : i32
      %convert_element_type3A_56 = arith.extui %eq3A_55 : i1 to i32
      %cond3A_57 = arith.constant 0 : i32
      %cond3A_58 = arith.cmpi ne, %convert_element_type3A_56, %cond3A_57 : i32
      scf.if %cond3A_58 {
        %dma_start3A = tpu.memref_slice %arg8[%mul3A_46] : memref<10000xi32, #tpu.memory_space<vmem>> -> memref<80xi32, #tpu.memory_space<vmem>>
        %dma_start3A_60 = arith.constant 0 : i32
        %dma_start3A_61 = arith.constant 0 : i32
        %dma_start3A_62 = tpu.memref_slice %arg3[%dma_start3A_60, %dma_start3A_61] : memref<10000x128xf32, #tpu.memory_space<hbm>> -> memref<10000x128xf32, #tpu.memory_space<hbm>>
        tpu.enqueue_indirect_dma source(%dma_start3A_62 : memref<10000x128xf32, #tpu.memory_space<hbm>>) target(%arg10 : memref<80x128xf32, #tpu.memory_space<vmem>>) offsets(%dma_start3A : memref<80xi32, #tpu.memory_space<vmem>>) semaphore(%arg14 : memref<!tpu.dma_semaphore, #tpu.memory_space<semaphore_mem>>)
        %dma_start3A_63 = tpu.memref_slice %arg8[%mul3A_48] : memref<10000xi32, #tpu.memory_space<vmem>> -> memref<80xi32, #tpu.memory_space<vmem>>
        %dma_start3A_64 = arith.constant 0 : i32
        %dma_start3A_65 = arith.constant 0 : i32
        %dma_start3A_66 = tpu.memref_slice %arg3[%dma_start3A_64, %dma_start3A_65] : memref<10000x128xf32, #tpu.memory_space<hbm>> -> memref<10000x128xf32, #tpu.memory_space<hbm>>
        tpu.enqueue_indirect_dma source(%dma_start3A_66 : memref<10000x128xf32, #tpu.memory_space<hbm>>) target(%arg11 : memref<80x128xf32, #tpu.memory_space<vmem>>) offsets(%dma_start3A_63 : memref<80xi32, #tpu.memory_space<vmem>>) semaphore(%arg15 : memref<!tpu.dma_semaphore, #tpu.memory_space<semaphore_mem>>)
        %dma_wait3A = tpu.memref_slice %arg8[%mul3A_46] : memref<10000xi32, #tpu.memory_space<vmem>> -> memref<80xi32, #tpu.memory_space<vmem>>
        %dma_wait3A_67 = arith.constant 0 : i32
        %dma_wait3A_68 = arith.constant 0 : i32
        %dma_wait3A_69 = tpu.memref_slice %arg3[%dma_wait3A_67, %dma_wait3A_68] : memref<10000x128xf32, #tpu.memory_space<hbm>> -> memref<10000x128xf32, #tpu.memory_space<hbm>>
        tpu.wait_indirect_dma semaphore(%arg14 : memref<!tpu.dma_semaphore, #tpu.memory_space<semaphore_mem>>) src(%dma_wait3A_69 : memref<10000x128xf32, #tpu.memory_space<hbm>>) dst(%arg10 : memref<80x128xf32, #tpu.memory_space<vmem>>)
        "tpu.region"() ({
          %run_scoped3A_74 = tpu.sem_alloc : memref<!tpu.dma_semaphore, #tpu.memory_space<semaphore_mem>>
          %dma_start3A_75 = arith.constant 0 : i32
          %dma_start3A_76 = tpu.memref_slice %arg9[%mul3A_43, %dma_start3A_75] : memref<125x80xi32, #tpu.memory_space<vmem>> -> memref<1x80xi32, #tpu.memory_space<vmem>>
          %dma_start3A_77 = tpu.memref_squeeze %dma_start3A_76 : memref<1x80xi32, #tpu.memory_space<vmem>> -> memref<80xi32, #tpu.memory_space<vmem>>
          %dma_start3A_78 = arith.constant 0 : i32
          %dma_start3A_79 = arith.constant 0 : i32
          %dma_start3A_80 = tpu.memref_slice %arg13[%dma_start3A_78, %dma_start3A_79] : memref<10240x128xf32, #tpu.memory_space<vmem_shared>> -> memref<10240x128xf32, #tpu.memory_space<vmem_shared>>
          tpu.enqueue_indirect_dma source(%arg10 : memref<80x128xf32, #tpu.memory_space<vmem>>) target(%dma_start3A_80 : memref<10240x128xf32, #tpu.memory_space<vmem_shared>>) offsets(%dma_start3A_77 : memref<80xi32, #tpu.memory_space<vmem>>) semaphore(%run_scoped3A_74 : memref<!tpu.dma_semaphore, #tpu.memory_space<semaphore_mem>>) {add = true}
          %dma_wait3A_81 = arith.constant 0 : i32
          %dma_wait3A_82 = tpu.memref_slice %arg9[%mul3A_43, %dma_wait3A_81] : memref<125x80xi32, #tpu.memory_space<vmem>> -> memref<1x80xi32, #tpu.memory_space<vmem>>
          %dma_wait3A_83 = tpu.memref_squeeze %dma_wait3A_82 : memref<1x80xi32, #tpu.memory_space<vmem>> -> memref<80xi32, #tpu.memory_space<vmem>>
          %dma_wait3A_84 = arith.constant 0 : i32
          %dma_wait3A_85 = arith.constant 0 : i32
          %dma_wait3A_86 = tpu.memref_slice %arg13[%dma_wait3A_84, %dma_wait3A_85] : memref<10240x128xf32, #tpu.memory_space<vmem_shared>> -> memref<10240x128xf32, #tpu.memory_space<vmem_shared>>
          tpu.wait_indirect_dma semaphore(%run_scoped3A_74 : memref<!tpu.dma_semaphore, #tpu.memory_space<semaphore_mem>>) src(%arg10 : memref<80x128xf32, #tpu.memory_space<vmem>>) dst(%dma_wait3A_86 : memref<10240x128xf32, #tpu.memory_space<vmem_shared>>)
          tpu.yield
        }) : () -> ()
        %dma_wait3A_70 = tpu.memref_slice %arg8[%mul3A_48] : memref<10000xi32, #tpu.memory_space<vmem>> -> memref<80xi32, #tpu.memory_space<vmem>>
        %dma_wait3A_71 = arith.constant 0 : i32
        %dma_wait3A_72 = arith.constant 0 : i32
        %dma_wait3A_73 = tpu.memref_slice %arg3[%dma_wait3A_71, %dma_wait3A_72] : memref<10000x128xf32, #tpu.memory_space<hbm>> -> memref<10000x128xf32, #tpu.memory_space<hbm>>
        tpu.wait_indirect_dma semaphore(%arg15 : memref<!tpu.dma_semaphore, #tpu.memory_space<semaphore_mem>>) src(%dma_wait3A_73 : memref<10000x128xf32, #tpu.memory_space<hbm>>) dst(%arg11 : memref<80x128xf32, #tpu.memory_space<vmem>>)
        "tpu.region"() ({
          %run_scoped3A_74 = tpu.sem_alloc : memref<!tpu.dma_semaphore, #tpu.memory_space<semaphore_mem>>
          %dma_start3A_75 = arith.constant 0 : i32
          %dma_start3A_76 = tpu.memref_slice %arg9[%add3A_44, %dma_start3A_75] : memref<125x80xi32, #tpu.memory_space<vmem>> -> memref<1x80xi32, #tpu.memory_space<vmem>>
          %dma_start3A_77 = tpu.memref_squeeze %dma_start3A_76 : memref<1x80xi32, #tpu.memory_space<vmem>> -> memref<80xi32, #tpu.memory_space<vmem>>
          %dma_start3A_78 = arith.constant 0 : i32
          %dma_start3A_79 = arith.constant 0 : i32
          %dma_start3A_80 = tpu.memref_slice %arg13[%dma_start3A_78, %dma_start3A_79] : memref<10240x128xf32, #tpu.memory_space<vmem_shared>> -> memref<10240x128xf32, #tpu.memory_space<vmem_shared>>
          tpu.enqueue_indirect_dma source(%arg11 : memref<80x128xf32, #tpu.memory_space<vmem>>) target(%dma_start3A_80 : memref<10240x128xf32, #tpu.memory_space<vmem_shared>>) offsets(%dma_start3A_77 : memref<80xi32, #tpu.memory_space<vmem>>) semaphore(%run_scoped3A_74 : memref<!tpu.dma_semaphore, #tpu.memory_space<semaphore_mem>>) {add = true}
          %dma_wait3A_81 = arith.constant 0 : i32
          %dma_wait3A_82 = tpu.memref_slice %arg9[%add3A_44, %dma_wait3A_81] : memref<125x80xi32, #tpu.memory_space<vmem>> -> memref<1x80xi32, #tpu.memory_space<vmem>>
          %dma_wait3A_83 = tpu.memref_squeeze %dma_wait3A_82 : memref<1x80xi32, #tpu.memory_space<vmem>> -> memref<80xi32, #tpu.memory_space<vmem>>
          %dma_wait3A_84 = arith.constant 0 : i32
          %dma_wait3A_85 = arith.constant 0 : i32
          %dma_wait3A_86 = tpu.memref_slice %arg13[%dma_wait3A_84, %dma_wait3A_85] : memref<10240x128xf32, #tpu.memory_space<vmem_shared>> -> memref<10240x128xf32, #tpu.memory_space<vmem_shared>>
          tpu.wait_indirect_dma semaphore(%run_scoped3A_74 : memref<!tpu.dma_semaphore, #tpu.memory_space<semaphore_mem>>) src(%arg11 : memref<80x128xf32, #tpu.memory_space<vmem>>) dst(%dma_wait3A_86 : memref<10240x128xf32, #tpu.memory_space<vmem_shared>>)
          tpu.yield
        }) : () -> ()
      } else {
      }
      %scan3A_59 = arith.constant 0 : i32
      scf.yield %scan3A_59 : i32
    }
    %scan3A_20 = arith.constant 62 : i32
    %eq3A = arith.constant 0 : i32
    %eq3A_21 = arith.cmpi eq, %arg0, %eq3A : i32
    %convert_element_type3A = arith.extui %eq3A_21 : i1 to i32
    %cond3A = arith.constant 0 : i32
    %cond3A_22 = arith.cmpi ne, %convert_element_type3A, %cond3A : i32
    scf.if %cond3A_22 {
      %dma_start3A = arith.constant 9920 : i32
      %dma_start3A_40 = tpu.memref_slice %arg8[%dma_start3A] : memref<10000xi32, #tpu.memory_space<vmem>> -> memref<80xi32, #tpu.memory_space<vmem>>
      %dma_start3A_41 = arith.constant 0 : i32
      %dma_start3A_42 = arith.constant 0 : i32
      %dma_start3A_43 = tpu.memref_slice %arg2[%dma_start3A_41, %dma_start3A_42] : memref<10000x128xf32, #tpu.memory_space<hbm>> -> memref<10000x128xf32, #tpu.memory_space<hbm>>
      tpu.enqueue_indirect_dma source(%dma_start3A_43 : memref<10000x128xf32, #tpu.memory_space<hbm>>) target(%arg10 : memref<80x128xf32, #tpu.memory_space<vmem>>) offsets(%dma_start3A_40 : memref<80xi32, #tpu.memory_space<vmem>>) semaphore(%arg14 : memref<!tpu.dma_semaphore, #tpu.memory_space<semaphore_mem>>)
      %dma_wait3A = arith.constant 9920 : i32
      %dma_wait3A_44 = tpu.memref_slice %arg8[%dma_wait3A] : memref<10000xi32, #tpu.memory_space<vmem>> -> memref<80xi32, #tpu.memory_space<vmem>>
      %dma_wait3A_45 = arith.constant 0 : i32
      %dma_wait3A_46 = arith.constant 0 : i32
      %dma_wait3A_47 = tpu.memref_slice %arg2[%dma_wait3A_45, %dma_wait3A_46] : memref<10000x128xf32, #tpu.memory_space<hbm>> -> memref<10000x128xf32, #tpu.memory_space<hbm>>
      tpu.wait_indirect_dma semaphore(%arg14 : memref<!tpu.dma_semaphore, #tpu.memory_space<semaphore_mem>>) src(%dma_wait3A_47 : memref<10000x128xf32, #tpu.memory_space<hbm>>) dst(%arg10 : memref<80x128xf32, #tpu.memory_space<vmem>>)
    } else {
    }
    %eq3A_23 = arith.constant 1 : i32
    %eq3A_24 = arith.cmpi eq, %arg0, %eq3A_23 : i32
    %convert_element_type3A_25 = arith.extui %eq3A_24 : i1 to i32
    %cond3A_26 = arith.constant 0 : i32
    %cond3A_27 = arith.cmpi ne, %convert_element_type3A_25, %cond3A_26 : i32
    scf.if %cond3A_27 {
      %dma_start3A = arith.constant 9920 : i32
      %dma_start3A_40 = tpu.memref_slice %arg8[%dma_start3A] : memref<10000xi32, #tpu.memory_space<vmem>> -> memref<80xi32, #tpu.memory_space<vmem>>
      %dma_start3A_41 = arith.constant 0 : i32
      %dma_start3A_42 = arith.constant 0 : i32
      %dma_start3A_43 = tpu.memref_slice %arg3[%dma_start3A_41, %dma_start3A_42] : memref<10000x128xf32, #tpu.memory_space<hbm>> -> memref<10000x128xf32, #tpu.memory_space<hbm>>
      tpu.enqueue_indirect_dma source(%dma_start3A_43 : memref<10000x128xf32, #tpu.memory_space<hbm>>) target(%arg10 : memref<80x128xf32, #tpu.memory_space<vmem>>) offsets(%dma_start3A_40 : memref<80xi32, #tpu.memory_space<vmem>>) semaphore(%arg14 : memref<!tpu.dma_semaphore, #tpu.memory_space<semaphore_mem>>)
      %dma_wait3A = arith.constant 9920 : i32
      %dma_wait3A_44 = tpu.memref_slice %arg8[%dma_wait3A] : memref<10000xi32, #tpu.memory_space<vmem>> -> memref<80xi32, #tpu.memory_space<vmem>>
      %dma_wait3A_45 = arith.constant 0 : i32
      %dma_wait3A_46 = arith.constant 0 : i32
      %dma_wait3A_47 = tpu.memref_slice %arg3[%dma_wait3A_45, %dma_wait3A_46] : memref<10000x128xf32, #tpu.memory_space<hbm>> -> memref<10000x128xf32, #tpu.memory_space<hbm>>
      tpu.wait_indirect_dma semaphore(%arg14 : memref<!tpu.dma_semaphore, #tpu.memory_space<semaphore_mem>>) src(%dma_wait3A_47 : memref<10000x128xf32, #tpu.memory_space<hbm>>) dst(%arg10 : memref<80x128xf32, #tpu.memory_space<vmem>>)
    } else {
    }
    %run_scoped3A = arith.constant 124 : i32
    "tpu.region"() ({
      %run_scoped3A_40 = tpu.sem_alloc : memref<!tpu.dma_semaphore, #tpu.memory_space<semaphore_mem>>
      %dma_start3A = arith.constant 0 : i32
      %dma_start3A_41 = tpu.memref_slice %arg9[%run_scoped3A, %dma_start3A] : memref<125x80xi32, #tpu.memory_space<vmem>> -> memref<1x80xi32, #tpu.memory_space<vmem>>
      %dma_start3A_42 = tpu.memref_squeeze %dma_start3A_41 : memref<1x80xi32, #tpu.memory_space<vmem>> -> memref<80xi32, #tpu.memory_space<vmem>>
      %dma_start3A_43 = arith.constant 0 : i32
      %dma_start3A_44 = arith.constant 0 : i32
      %dma_start3A_45 = tpu.memref_slice %arg13[%dma_start3A_43, %dma_start3A_44] : memref<10240x128xf32, #tpu.memory_space<vmem_shared>> -> memref<10240x128xf32, #tpu.memory_space<vmem_shared>>
      tpu.enqueue_indirect_dma source(%arg10 : memref<80x128xf32, #tpu.memory_space<vmem>>) target(%dma_start3A_45 : memref<10240x128xf32, #tpu.memory_space<vmem_shared>>) offsets(%dma_start3A_42 : memref<80xi32, #tpu.memory_space<vmem>>) semaphore(%run_scoped3A_40 : memref<!tpu.dma_semaphore, #tpu.memory_space<semaphore_mem>>) {add = true}
      %dma_wait3A = arith.constant 0 : i32
      %dma_wait3A_46 = tpu.memref_slice %arg9[%run_scoped3A, %dma_wait3A] : memref<125x80xi32, #tpu.memory_space<vmem>> -> memref<1x80xi32, #tpu.memory_space<vmem>>
      %dma_wait3A_47 = tpu.memref_squeeze %dma_wait3A_46 : memref<1x80xi32, #tpu.memory_space<vmem>> -> memref<80xi32, #tpu.memory_space<vmem>>
      %dma_wait3A_48 = arith.constant 0 : i32
      %dma_wait3A_49 = arith.constant 0 : i32
      %dma_wait3A_50 = tpu.memref_slice %arg13[%dma_wait3A_48, %dma_wait3A_49] : memref<10240x128xf32, #tpu.memory_space<vmem_shared>> -> memref<10240x128xf32, #tpu.memory_space<vmem_shared>>
      tpu.wait_indirect_dma semaphore(%run_scoped3A_40 : memref<!tpu.dma_semaphore, #tpu.memory_space<semaphore_mem>>) src(%arg10 : memref<80x128xf32, #tpu.memory_space<vmem>>) dst(%dma_wait3A_50 : memref<10240x128xf32, #tpu.memory_space<vmem_shared>>)
      tpu.yield
    }) : () -> ()
    %barrier3A_28 = arith.constant 0 : index
    tpu.barrier barrier_id(%barrier3A_28)
    %mul3A = arith.constant 640 : i32
    %mul3A_29 = arith.muli %arg1, %mul3A : i32
    %eq3A_30 = arith.constant 0 : i32
    %eq3A_31 = arith.cmpi eq, %arg0, %eq3A_30 : i32
    %convert_element_type3A_32 = arith.extui %eq3A_31 : i1 to i32
    %cond3A_33 = arith.constant 0 : i32
    %cond3A_34 = arith.cmpi ne, %convert_element_type3A_32, %cond3A_33 : i32
    scf.if %cond3A_34 {
      "tpu.region"() ({
        %run_scoped3A_40 = tpu.sem_alloc : memref<!tpu.dma_semaphore, #tpu.memory_space<semaphore_mem>>
        %dma_start3A = arith.constant 0 : i32
        %dma_start3A_41 = tpu.memref_slice %arg6[%mul3A_29, %dma_start3A] : memref<10240x128xf32, #tpu.memory_space<hbm>> -> memref<640x128xf32, #tpu.memory_space<hbm>>
        %dma_start3A_42 = arith.constant 0 : i32
        %dma_start3A_43 = tpu.memref_slice %arg13[%mul3A_29, %dma_start3A_42] : memref<10240x128xf32, #tpu.memory_space<vmem_shared>> -> memref<640x128xf32, #tpu.memory_space<vmem_shared>>
        tpu.enqueue_dma source(%dma_start3A_43 : memref<640x128xf32, #tpu.memory_space<vmem_shared>>) target(%dma_start3A_41 : memref<640x128xf32, #tpu.memory_space<hbm>>) target_semaphore(%run_scoped3A_40 : memref<!tpu.dma_semaphore, #tpu.memory_space<semaphore_mem>>)
        %dma_wait3A = arith.constant 0 : i32
        %dma_wait3A_44 = tpu.memref_slice %arg6[%mul3A_29, %dma_wait3A] : memref<10240x128xf32, #tpu.memory_space<hbm>> -> memref<640x128xf32, #tpu.memory_space<hbm>>
        %dma_wait3A_45 = arith.constant 0 : i32
        %dma_wait3A_46 = tpu.memref_slice %arg13[%mul3A_29, %dma_wait3A_45] : memref<10240x128xf32, #tpu.memory_space<vmem_shared>> -> memref<640x128xf32, #tpu.memory_space<vmem_shared>>
        tpu.wait_dma2 semaphore(%run_scoped3A_40 : memref<!tpu.dma_semaphore, #tpu.memory_space<semaphore_mem>>) src(%dma_wait3A_46 : memref<640x128xf32, #tpu.memory_space<vmem_shared>>) dst(%dma_wait3A_44 : memref<640x128xf32, #tpu.memory_space<hbm>>)
        tpu.yield
      }) : () -> ()
    } else {
    }
    %eq3A_35 = arith.constant 1 : i32
    %eq3A_36 = arith.cmpi eq, %arg0, %eq3A_35 : i32
    %convert_element_type3A_37 = arith.extui %eq3A_36 : i1 to i32
    %cond3A_38 = arith.constant 0 : i32
    %cond3A_39 = arith.cmpi ne, %convert_element_type3A_37, %cond3A_38 : i32
    scf.if %cond3A_39 {
      "tpu.region"() ({
        %run_scoped3A_40 = tpu.sem_alloc : memref<!tpu.dma_semaphore, #tpu.memory_space<semaphore_mem>>
        %dma_start3A = arith.constant 0 : i32
        %dma_start3A_41 = tpu.memref_slice %arg7[%mul3A_29, %dma_start3A] : memref<10240x128xf32, #tpu.memory_space<hbm>> -> memref<640x128xf32, #tpu.memory_space<hbm>>
        %dma_start3A_42 = arith.constant 0 : i32
        %dma_start3A_43 = tpu.memref_slice %arg13[%mul3A_29, %dma_start3A_42] : memref<10240x128xf32, #tpu.memory_space<vmem_shared>> -> memref<640x128xf32, #tpu.memory_space<vmem_shared>>
        tpu.enqueue_dma source(%dma_start3A_43 : memref<640x128xf32, #tpu.memory_space<vmem_shared>>) target(%dma_start3A_41 : memref<640x128xf32, #tpu.memory_space<hbm>>) target_semaphore(%run_scoped3A_40 : memref<!tpu.dma_semaphore, #tpu.memory_space<semaphore_mem>>)
        %dma_wait3A = arith.constant 0 : i32
        %dma_wait3A_44 = tpu.memref_slice %arg7[%mul3A_29, %dma_wait3A] : memref<10240x128xf32, #tpu.memory_space<hbm>> -> memref<640x128xf32, #tpu.memory_space<hbm>>
        %dma_wait3A_45 = arith.constant 0 : i32
        %dma_wait3A_46 = tpu.memref_slice %arg13[%mul3A_29, %dma_wait3A_45] : memref<10240x128xf32, #tpu.memory_space<vmem_shared>> -> memref<640x128xf32, #tpu.memory_space<vmem_shared>>
        tpu.wait_dma2 semaphore(%run_scoped3A_40 : memref<!tpu.dma_semaphore, #tpu.memory_space<semaphore_mem>>) src(%dma_wait3A_46 : memref<640x128xf32, #tpu.memory_space<vmem_shared>>) dst(%dma_wait3A_44 : memref<640x128xf32, #tpu.memory_space<hbm>>)
        tpu.yield
      }) : () -> ()
    } else {
    }
    return
  }
}

#map = affine_map<(d0, d1) -> (0, 0)>
#map1 = affine_map<(d0, d1) -> (0, 0, 0)>
module attributes {stable_mosaic.version = 14 : i64} {
  func.func @body(%arg0: i32, %arg1: i32, %arg2: memref<10000x128xf32, #tpu.memory_space<hbm>>, %arg3: memref<10000x128xf32, #tpu.memory_space<hbm>>, %arg4: memref<16x10000xi32, #tpu.memory_space<hbm>>, %arg5: memref<16x125x80xi32, #tpu.memory_space<hbm>>, %arg6: memref<10240x128xf32, #tpu.memory_space<hbm>>, %arg7: memref<10240x128xf32, #tpu.memory_space<hbm>>, %arg8: memref<10000xi32, #tpu.memory_space<vmem>>, %arg9: memref<125x80xi32, #tpu.memory_space<vmem>>, %arg10: memref<80x128xf32, #tpu.memory_space<vmem>>, %arg11: memref<80x128xf32, #tpu.memory_space<vmem>>, %arg12: memref<8x128xf32, #tpu.memory_space<vmem>>, %arg13: memref<10240x128xf32, #tpu.memory_space<vmem_shared>>, %arg14: memref<!tpu.dma_semaphore, #tpu.memory_space<semaphore_mem>>, %arg15: memref<!tpu.dma_semaphore, #tpu.memory_space<semaphore_mem>>) attributes {dimension_semantics = [#tpu.dimension_semantics<core_parallel>, #tpu.dimension_semantics<subcore_parallel>], iteration_bounds = array<i64: 2, 16>, scalar_prefetch = 0 : i64, scratch_operands = 8 : i64, tpu.core_type = #tpu.core_type<sc_vector_subcore>, window_params = [{transform_indices = #map}, {transform_indices = #map}, {transform_indices = #map}, {transform_indices = #map1}, {transform_indices = #map}, {transform_indices = #map}]} {
    %broadcast_in_dim3A = arith.constant 0.000000e+00 : f32
    %broadcast_in_dim3A_0 = vector.broadcast %broadcast_in_dim3A : f32 to vector<16xf32>
    %scan3A = arith.constant 0 : i32
    %scan3A_1 = arith.constant 0 : i32
    %scan3A_2 = arith.constant 8 : i32
    %scan3A_3 = arith.addi %scan3A_1, %scan3A_2 : i32
    %scan3A_4 = arith.constant 1 : i32
    %scan3A_5 = scf.for %scan3A_40 = %scan3A_1 to %scan3A_3 step %scan3A_4 iter_args(%scan3A_41 = %scan3A) -> (i32)  : i32 {
      %scan3A_42 = arith.constant 0 : i32
      %scan3A_43 = arith.constant 0 : i32
      %scan3A_44 = arith.constant 8 : i32
      %scan3A_45 = arith.addi %scan3A_43, %scan3A_44 : i32
      %scan3A_46 = arith.constant 1 : i32
      %scan3A_47 = scf.for %scan3A_49 = %scan3A_43 to %scan3A_45 step %scan3A_46 iter_args(%scan3A_50 = %scan3A_42) -> (i32)  : i32 {
        %mul3A_51 = arith.constant 16 : i32
        %mul3A_52 = arith.muli %scan3A_49, %mul3A_51 : i32
        %swap3A = arith.index_cast %scan3A_40 : i32 to index
        %swap3A_53 = arith.index_cast %mul3A_52 : i32 to index
        %swap3A_54 = tpu.vector_load %arg12[%swap3A, %swap3A_53] {strides = array<i32>} : memref<8x128xf32, #tpu.memory_space<vmem>>, vector<1x16xf32>,
        %swap3A_55 = vector.shape_cast %swap3A_54 : vector<1x16xf32> to vector<16xf32>
        %swap3A_56 = vector.shape_cast %broadcast_in_dim3A_0 : vector<16xf32> to vector<1x16xf32>
        tpu.vector_store %arg12[%swap3A, %swap3A_53], %swap3A_56 {strides = array<i32>} : memref<8x128xf32, #tpu.memory_space<vmem>>, vector<1x16xf32>,
        %scan3A_57 = arith.constant 0 : i32
        scf.yield %scan3A_57 : i32
      }
      %scan3A_48 = arith.constant 8 : i32
      scf.yield %scan3A_47 : i32
    }
    %scan3A_6 = arith.constant 8 : i32
    %scan3A_7 = arith.constant 0 : i32
    %scan3A_8 = arith.constant 0 : i32
    %scan3A_9 = arith.constant 80 : i32
    %scan3A_10 = arith.addi %scan3A_8, %scan3A_9 : i32
    %scan3A_11 = arith.constant 1 : i32
    %scan3A_12 = scf.for %scan3A_40 = %scan3A_8 to %scan3A_10 step %scan3A_11 iter_args(%scan3A_41 = %scan3A_7) -> (i32)  : i32 {
      %mul3A_42 = arith.constant 640 : i32
      %mul3A_43 = arith.muli %arg1, %mul3A_42 : i32
      %mul3A_44 = arith.constant 8 : i32
      %mul3A_45 = arith.muli %scan3A_40, %mul3A_44 : i32
      %add3A = arith.addi %mul3A_43, %mul3A_45 : i32
      "tpu.region"() ({
        %run_scoped3A_47 = tpu.sem_alloc : memref<!tpu.dma_semaphore, #tpu.memory_space<semaphore_mem>>
        %dma_start3A = arith.constant 0 : i32
        %dma_start3A_48 = tpu.memref_slice %arg13[%add3A, %dma_start3A] : memref<10240x128xf32, #tpu.memory_space<vmem_shared>> -> memref<8x128xf32, #tpu.memory_space<vmem_shared>>
        %dma_start3A_49 = arith.constant 0 : i32
        %dma_start3A_50 = tpu.memref_slice %arg13[%add3A, %dma_start3A_49] : memref<10240x128xf32, #tpu.memory_space<vmem_shared>> -> memref<8x128xf32, #tpu.memory_space<vmem_shared>>
        tpu.enqueue_dma source(%arg12 : memref<8x128xf32, #tpu.memory_space<vmem>>) target(%dma_start3A_50 : memref<8x128xf32, #tpu.memory_space<vmem_shared>>) target_semaphore(%run_scoped3A_47 : memref<!tpu.dma_semaphore, #tpu.memory_space<semaphore_mem>>)
        %dma_wait3A = arith.constant 0 : i32
        %dma_wait3A_51 = tpu.memref_slice %arg13[%add3A, %dma_wait3A] : memref<10240x128xf32, #tpu.memory_space<vmem_shared>> -> memref<8x128xf32, #tpu.memory_space<vmem_shared>>
        %dma_wait3A_52 = arith.constant 0 : i32
        %dma_wait3A_53 = tpu.memref_slice %arg13[%add3A, %dma_wait3A_52] : memref<10240x128xf32, #tpu.memory_space<vmem_shared>> -> memref<8x128xf32, #tpu.memory_space<vmem_shared>>
        tpu.wait_dma2 semaphore(%run_scoped3A_47 : memref<!tpu.dma_semaphore, #tpu.memory_space<semaphore_mem>>) src(%arg12 : memref<8x128xf32, #tpu.memory_space<vmem>>) dst(%dma_wait3A_53 : memref<8x128xf32, #tpu.memory_space<vmem_shared>>)
        tpu.yield
      }) : () -> ()
      %scan3A_46 = arith.constant 0 : i32
      scf.yield %scan3A_46 : i32
    }
    %scan3A_13 = arith.constant 80 : i32
    "tpu.region"() ({
      %run_scoped3A_40 = tpu.sem_alloc : memref<!tpu.dma_semaphore, #tpu.memory_space<semaphore_mem>>
      %dma_start3A = arith.constant 0 : i32
      %dma_start3A_41 = tpu.memref_slice %arg4[%arg1, %dma_start3A] : memref<16x10000xi32, #tpu.memory_space<hbm>> -> memref<1x10000xi32, #tpu.memory_space<hbm>>
      %dma_start3A_42 = tpu.memref_squeeze %dma_start3A_41 : memref<1x10000xi32, #tpu.memory_space<hbm>> -> memref<10000xi32, #tpu.memory_space<hbm>>
      %dma_start3A_43 = arith.constant 0 : i32
      %dma_start3A_44 = tpu.memref_slice %arg4[%arg1, %dma_start3A_43] : memref<16x10000xi32, #tpu.memory_space<hbm>> -> memref<1x10000xi32, #tpu.memory_space<hbm>>
      %dma_start3A_45 = tpu.memref_squeeze %dma_start3A_44 : memref<1x10000xi32, #tpu.memory_space<hbm>> -> memref<10000xi32, #tpu.memory_space<hbm>>
      tpu.enqueue_dma source(%dma_start3A_45 : memref<10000xi32, #tpu.memory_space<hbm>>) target(%arg8 : memref<10000xi32, #tpu.memory_space<vmem>>) target_semaphore(%run_scoped3A_40 : memref<!tpu.dma_semaphore, #tpu.memory_space<semaphore_mem>>)
      %dma_wait3A = arith.constant 0 : i32
      %dma_wait3A_46 = tpu.memref_slice %arg4[%arg1, %dma_wait3A] : memref<16x10000xi32, #tpu.memory_space<hbm>> -> memref<1x10000xi32, #tpu.memory_space<hbm>>
      %dma_wait3A_47 = tpu.memref_squeeze %dma_wait3A_46 : memref<1x10000xi32, #tpu.memory_space<hbm>> -> memref<10000xi32, #tpu.memory_space<hbm>>
      %dma_wait3A_48 = arith.constant 0 : i32
      %dma_wait3A_49 = tpu.memref_slice %arg4[%arg1, %dma_wait3A_48] : memref<16x10000xi32, #tpu.memory_space<hbm>> -> memref<1x10000xi32, #tpu.memory_space<hbm>>
      %dma_wait3A_50 = tpu.memref_squeeze %dma_wait3A_49 : memref<1x10000xi32, #tpu.memory_space<hbm>> -> memref<10000xi32, #tpu.memory_space<hbm>>
      tpu.wait_dma2 semaphore(%run_scoped3A_40 : memref<!tpu.dma_semaphore, #tpu.memory_space<semaphore_mem>>) src(%dma_wait3A_50 : memref<10000xi32, #tpu.memory_space<hbm>>) dst(%arg8 : memref<10000xi32, #tpu.memory_space<vmem>>)
      tpu.yield
    }) : () -> ()
    "tpu.region"() ({
      %run_scoped3A_40 = tpu.sem_alloc : memref<!tpu.dma_semaphore, #tpu.memory_space<semaphore_mem>>
      %dma_start3A = arith.constant 0 : i32
      %dma_start3A_41 = arith.constant 0 : i32
      %dma_start3A_42 = tpu.memref_slice %arg5[%arg1, %dma_start3A, %dma_start3A_41] : memref<16x125x80xi32, #tpu.memory_space<hbm>> -> memref<1x125x80xi32, #tpu.memory_space<hbm>>
      %dma_start3A_43 = tpu.memref_squeeze %dma_start3A_42 : memref<1x125x80xi32, #tpu.memory_space<hbm>> -> memref<125x80xi32, #tpu.memory_space<hbm>>
      %dma_start3A_44 = arith.constant 0 : i32
      %dma_start3A_45 = arith.constant 0 : i32
      %dma_start3A_46 = tpu.memref_slice %arg5[%arg1, %dma_start3A_44, %dma_start3A_45] : memref<16x125x80xi32, #tpu.memory_space<hbm>> -> memref<1x125x80xi32, #tpu.memory_space<hbm>>
      %dma_start3A_47 = tpu.memref_squeeze %dma_start3A_46 : memref<1x125x80xi32, #tpu.memory_space<hbm>> -> memref<125x80xi32, #tpu.memory_space<hbm>>
      tpu.enqueue_dma source(%dma_start3A_47 : memref<125x80xi32, #tpu.memory_space<hbm>>) target(%arg9 : memref<125x80xi32, #tpu.memory_space<vmem>>) target_semaphore(%run_scoped3A_40 : memref<!tpu.dma_semaphore, #tpu.memory_space<semaphore_mem>>)
      %dma_wait3A = arith.constant 0 : i32
      %dma_wait3A_48 = arith.constant 0 : i32
      %dma_wait3A_49 = tpu.memref_slice %arg5[%arg1, %dma_wait3A, %dma_wait3A_48] : memref<16x125x80xi32, #tpu.memory_space<hbm>> -> memref<1x125x80xi32, #tpu.memory_space<hbm>>
      %dma_wait3A_50 = tpu.memref_squeeze %dma_wait3A_49 : memref<1x125x80xi32, #tpu.memory_space<hbm>> -> memref<125x80xi32, #tpu.memory_space<hbm>>
      %dma_wait3A_51 = arith.constant 0 : i32
      %dma_wait3A_52 = arith.constant 0 : i32
      %dma_wait3A_53 = tpu.memref_slice %arg5[%arg1, %dma_wait3A_51, %dma_wait3A_52] : memref<16x125x80xi32, #tpu.memory_space<hbm>> -> memref<1x125x80xi32, #tpu.memory_space<hbm>>
      %dma_wait3A_54 = tpu.memref_squeeze %dma_wait3A_53 : memref<1x125x80xi32, #tpu.memory_space<hbm>> -> memref<125x80xi32, #tpu.memory_space<hbm>>
      tpu.wait_dma2 semaphore(%run_scoped3A_40 : memref<!tpu.dma_semaphore, #tpu.memory_space<semaphore_mem>>) src(%dma_wait3A_54 : memref<125x80xi32, #tpu.memory_space<hbm>>) dst(%arg9 : memref<125x80xi32, #tpu.memory_space<vmem>>)
      tpu.yield
    }) : () -> ()
    %barrier3A = arith.constant 0 : index
    tpu.barrier barrier_id(%barrier3A)
    %scan3A_14 = arith.constant 0 : i32
    %scan3A_15 = arith.constant 0 : i32
    %scan3A_16 = arith.constant 62 : i32
    %scan3A_17 = arith.addi %scan3A_15, %scan3A_16 : i32
    %scan3A_18 = arith.constant 1 : i32
    %scan3A_19 = scf.for %scan3A_40 = %scan3A_15 to %scan3A_17 step %scan3A_18 iter_args(%scan3A_41 = %scan3A_14) -> (i32)  : i32 {
      %mul3A_42 = arith.constant 2 : i32
      %mul3A_43 = arith.muli %mul3A_42, %scan3A_40 : i32
      %add3A = arith.constant 1 : i32
      %add3A_44 = arith.addi %mul3A_43, %add3A : i32
      %mul3A_45 = arith.constant 80 : i32
      %mul3A_46 = arith.muli %mul3A_43, %mul3A_45 : i32
      %mul3A_47 = arith.constant 80 : i32
      %mul3A_48 = arith.muli %add3A_44, %mul3A_47 : i32
      %eq3A_49 = arith.constant 0 : i32
      %eq3A_50 = arith.cmpi eq, %arg0, %eq3A_49 : i32
      %convert_element_type3A_51 = arith.extui %eq3A_50 : i1 to i32
      %cond3A_52 = arith.constant 0 : i32
      %cond3A_53 = arith.cmpi ne, %convert_element_type3A_51, %cond3A_52 : i32
      scf.if %cond3A_53 {
        %dma_start3A = tpu.memref_slice %arg8[%mul3A_46] : memref<10000xi32, #tpu.memory_space<vmem>> -> memref<80xi32, #tpu.memory_space<vmem>>
        %dma_start3A_60 = arith.constant 0 : i32
        %dma_start3A_61 = arith.constant 0 : i32
        %dma_start3A_62 = tpu.memref_slice %arg2[%dma_start3A_60, %dma_start3A_61] : memref<10000x128xf32, #tpu.memory_space<hbm>> -> memref<10000x128xf32, #tpu.memory_space<hbm>>
        tpu.enqueue_indirect_dma source(%dma_start3A_62 : memref<10000x128xf32, #tpu.memory_space<hbm>>) target(%arg10 : memref<80x128xf32, #tpu.memory_space<vmem>>) offsets(%dma_start3A : memref<80xi32, #tpu.memory_space<vmem>>) semaphore(%arg14 : memref<!tpu.dma_semaphore, #tpu.memory_space<semaphore_mem>>)
        %dma_start3A_63 = tpu.memref_slice %arg8[%mul3A_48] : memref<10000xi32, #tpu.memory_space<vmem>> -> memref<80xi32, #tpu.memory_space<vmem>>
        %dma_start3A_64 = arith.constant 0 : i32
        %dma_start3A_65 = arith.constant 0 : i32
        %dma_start3A_66 = tpu.memref_slice %arg2[%dma_start3A_64, %dma_start3A_65] : memref<10000x128xf32, #tpu.memory_space<hbm>> -> memref<10000x128xf32, #tpu.memory_space<hbm>>
        tpu.enqueue_indirect_dma source(%dma_start3A_66 : memref<10000x128xf32, #tpu.memory_space<hbm>>) target(%arg11 : memref<80x128xf32, #tpu.memory_space<vmem>>) offsets(%dma_start3A_63 : memref<80xi32, #tpu.memory_space<vmem>>) semaphore(%arg15 : memref<!tpu.dma_semaphore, #tpu.memory_space<semaphore_mem>>)
        %dma_wait3A = tpu.memref_slice %arg8[%mul3A_46] : memref<10000xi32, #tpu.memory_space<vmem>> -> memref<80xi32, #tpu.memory_space<vmem>>
        %dma_wait3A_67 = arith.constant 0 : i32
        %dma_wait3A_68 = arith.constant 0 : i32
        %dma_wait3A_69 = tpu.memref_slice %arg2[%dma_wait3A_67, %dma_wait3A_68] : memref<10000x128xf32, #tpu.memory_space<hbm>> -> memref<10000x128xf32, #tpu.memory_space<hbm>>
        tpu.wait_indirect_dma semaphore(%arg14 : memref<!tpu.dma_semaphore, #tpu.memory_space<semaphore_mem>>) src(%dma_wait3A_69 : memref<10000x128xf32, #tpu.memory_space<hbm>>) dst(%arg10 : memref<80x128xf32, #tpu.memory_space<vmem>>)
        "tpu.region"() ({
          %run_scoped3A_74 = tpu.sem_alloc : memref<!tpu.dma_semaphore, #tpu.memory_space<semaphore_mem>>
          %dma_start3A_75 = arith.constant 0 : i32
          %dma_start3A_76 = tpu.memref_slice %arg9[%mul3A_43, %dma_start3A_75] : memref<125x80xi32, #tpu.memory_space<vmem>> -> memref<1x80xi32, #tpu.memory_space<vmem>>
          %dma_start3A_77 = tpu.memref_squeeze %dma_start3A_76 : memref<1x80xi32, #tpu.memory_space<vmem>> -> memref<80xi32, #tpu.memory_space<vmem>>
          %dma_start3A_78 = arith.constant 0 : i32
          %dma_start3A_79 = arith.constant 0 : i32
          %dma_start3A_80 = tpu.memref_slice %arg13[%dma_start3A_78, %dma_start3A_79] : memref<10240x128xf32, #tpu.memory_space<vmem_shared>> -> memref<10240x128xf32, #tpu.memory_space<vmem_shared>>
          tpu.enqueue_indirect_dma source(%arg10 : memref<80x128xf32, #tpu.memory_space<vmem>>) target(%dma_start3A_80 : memref<10240x128xf32, #tpu.memory_space<vmem_shared>>) offsets(%dma_start3A_77 : memref<80xi32, #tpu.memory_space<vmem>>) semaphore(%run_scoped3A_74 : memref<!tpu.dma_semaphore, #tpu.memory_space<semaphore_mem>>) {add = true}
          %dma_wait3A_81 = arith.constant 0 : i32
          %dma_wait3A_82 = tpu.memref_slice %arg9[%mul3A_43, %dma_wait3A_81] : memref<125x80xi32, #tpu.memory_space<vmem>> -> memref<1x80xi32, #tpu.memory_space<vmem>>
          %dma_wait3A_83 = tpu.memref_squeeze %dma_wait3A_82 : memref<1x80xi32, #tpu.memory_space<vmem>> -> memref<80xi32, #tpu.memory_space<vmem>>
          %dma_wait3A_84 = arith.constant 0 : i32
          %dma_wait3A_85 = arith.constant 0 : i32
          %dma_wait3A_86 = tpu.memref_slice %arg13[%dma_wait3A_84, %dma_wait3A_85] : memref<10240x128xf32, #tpu.memory_space<vmem_shared>> -> memref<10240x128xf32, #tpu.memory_space<vmem_shared>>
          tpu.wait_indirect_dma semaphore(%run_scoped3A_74 : memref<!tpu.dma_semaphore, #tpu.memory_space<semaphore_mem>>) src(%arg10 : memref<80x128xf32, #tpu.memory_space<vmem>>) dst(%dma_wait3A_86 : memref<10240x128xf32, #tpu.memory_space<vmem_shared>>)
          tpu.yield
        }) : () -> ()
        %dma_wait3A_70 = tpu.memref_slice %arg8[%mul3A_48] : memref<10000xi32, #tpu.memory_space<vmem>> -> memref<80xi32, #tpu.memory_space<vmem>>
        %dma_wait3A_71 = arith.constant 0 : i32
        %dma_wait3A_72 = arith.constant 0 : i32
        %dma_wait3A_73 = tpu.memref_slice %arg2[%dma_wait3A_71, %dma_wait3A_72] : memref<10000x128xf32, #tpu.memory_space<hbm>> -> memref<10000x128xf32, #tpu.memory_space<hbm>>
        tpu.wait_indirect_dma semaphore(%arg15 : memref<!tpu.dma_semaphore, #tpu.memory_space<semaphore_mem>>) src(%dma_wait3A_73 : memref<10000x128xf32, #tpu.memory_space<hbm>>) dst(%arg11 : memref<80x128xf32, #tpu.memory_space<vmem>>)
        "tpu.region"() ({
          %run_scoped3A_74 = tpu.sem_alloc : memref<!tpu.dma_semaphore, #tpu.memory_space<semaphore_mem>>
          %dma_start3A_75 = arith.constant 0 : i32
          %dma_start3A_76 = tpu.memref_slice %arg9[%add3A_44, %dma_start3A_75] : memref<125x80xi32, #tpu.memory_space<vmem>> -> memref<1x80xi32, #tpu.memory_space<vmem>>
          %dma_start3A_77 = tpu.memref_squeeze %dma_start3A_76 : memref<1x80xi32, #tpu.memory_space<vmem>> -> memref<80xi32, #tpu.memory_space<vmem>>
          %dma_start3A_78 = arith.constant 0 : i32
          %dma_start3A_79 = arith.constant 0 : i32
          %dma_start3A_80 = tpu.memref_slice %arg13[%dma_start3A_78, %dma_start3A_79] : memref<10240x128xf32, #tpu.memory_space<vmem_shared>> -> memref<10240x128xf32, #tpu.memory_space<vmem_shared>>
          tpu.enqueue_indirect_dma source(%arg11 : memref<80x128xf32, #tpu.memory_space<vmem>>) target(%dma_start3A_80 : memref<10240x128xf32, #tpu.memory_space<vmem_shared>>) offsets(%dma_start3A_77 : memref<80xi32, #tpu.memory_space<vmem>>) semaphore(%run_scoped3A_74 : memref<!tpu.dma_semaphore, #tpu.memory_space<semaphore_mem>>) {add = true}
          %dma_wait3A_81 = arith.constant 0 : i32
          %dma_wait3A_82 = tpu.memref_slice %arg9[%add3A_44, %dma_wait3A_81] : memref<125x80xi32, #tpu.memory_space<vmem>> -> memref<1x80xi32, #tpu.memory_space<vmem>>
          %dma_wait3A_83 = tpu.memref_squeeze %dma_wait3A_82 : memref<1x80xi32, #tpu.memory_space<vmem>> -> memref<80xi32, #tpu.memory_space<vmem>>
          %dma_wait3A_84 = arith.constant 0 : i32
          %dma_wait3A_85 = arith.constant 0 : i32
          %dma_wait3A_86 = tpu.memref_slice %arg13[%dma_wait3A_84, %dma_wait3A_85] : memref<10240x128xf32, #tpu.memory_space<vmem_shared>> -> memref<10240x128xf32, #tpu.memory_space<vmem_shared>>
          tpu.wait_indirect_dma semaphore(%run_scoped3A_74 : memref<!tpu.dma_semaphore, #tpu.memory_space<semaphore_mem>>) src(%arg11 : memref<80x128xf32, #tpu.memory_space<vmem>>) dst(%dma_wait3A_86 : memref<10240x128xf32, #tpu.memory_space<vmem_shared>>)
          tpu.yield
        }) : () -> ()
      } else {
      }
      %eq3A_54 = arith.constant 1 : i32
      %eq3A_55 = arith.cmpi eq, %arg0, %eq3A_54 : i32
      %convert_element_type3A_56 = arith.extui %eq3A_55 : i1 to i32
      %cond3A_57 = arith.constant 0 : i32
      %cond3A_58 = arith.cmpi ne, %convert_element_type3A_56, %cond3A_57 : i32
      scf.if %cond3A_58 {
        %dma_start3A = tpu.memref_slice %arg8[%mul3A_46] : memref<10000xi32, #tpu.memory_space<vmem>> -> memref<80xi32, #tpu.memory_space<vmem>>
        %dma_start3A_60 = arith.constant 0 : i32
        %dma_start3A_61 = arith.constant 0 : i32
        %dma_start3A_62 = tpu.memref_slice %arg3[%dma_start3A_60, %dma_start3A_61] : memref<10000x128xf32, #tpu.memory_space<hbm>> -> memref<10000x128xf32, #tpu.memory_space<hbm>>
        tpu.enqueue_indirect_dma source(%dma_start3A_62 : memref<10000x128xf32, #tpu.memory_space<hbm>>) target(%arg10 : memref<80x128xf32, #tpu.memory_space<vmem>>) offsets(%dma_start3A : memref<80xi32, #tpu.memory_space<vmem>>) semaphore(%arg14 : memref<!tpu.dma_semaphore, #tpu.memory_space<semaphore_mem>>)
        %dma_start3A_63 = tpu.memref_slice %arg8[%mul3A_48] : memref<10000xi32, #tpu.memory_space<vmem>> -> memref<80xi32, #tpu.memory_space<vmem>>
        %dma_start3A_64 = arith.constant 0 : i32
        %dma_start3A_65 = arith.constant 0 : i32
        %dma_start3A_66 = tpu.memref_slice %arg3[%dma_start3A_64, %dma_start3A_65] : memref<10000x128xf32, #tpu.memory_space<hbm>> -> memref<10000x128xf32, #tpu.memory_space<hbm>>
        tpu.enqueue_indirect_dma source(%dma_start3A_66 : memref<10000x128xf32, #tpu.memory_space<hbm>>) target(%arg11 : memref<80x128xf32, #tpu.memory_space<vmem>>) offsets(%dma_start3A_63 : memref<80xi32, #tpu.memory_space<vmem>>) semaphore(%arg15 : memref<!tpu.dma_semaphore, #tpu.memory_space<semaphore_mem>>)
        %dma_wait3A = tpu.memref_slice %arg8[%mul3A_46] : memref<10000xi32, #tpu.memory_space<vmem>> -> memref<80xi32, #tpu.memory_space<vmem>>
        %dma_wait3A_67 = arith.constant 0 : i32
        %dma_wait3A_68 = arith.constant 0 : i32
        %dma_wait3A_69 = tpu.memref_slice %arg3[%dma_wait3A_67, %dma_wait3A_68] : memref<10000x128xf32, #tpu.memory_space<hbm>> -> memref<10000x128xf32, #tpu.memory_space<hbm>>
        tpu.wait_indirect_dma semaphore(%arg14 : memref<!tpu.dma_semaphore, #tpu.memory_space<semaphore_mem>>) src(%dma_wait3A_69 : memref<10000x128xf32, #tpu.memory_space<hbm>>) dst(%arg10 : memref<80x128xf32, #tpu.memory_space<vmem>>)
        "tpu.region"() ({
          %run_scoped3A_74 = tpu.sem_alloc : memref<!tpu.dma_semaphore, #tpu.memory_space<semaphore_mem>>
          %dma_start3A_75 = arith.constant 0 : i32
          %dma_start3A_76 = tpu.memref_slice %arg9[%mul3A_43, %dma_start3A_75] : memref<125x80xi32, #tpu.memory_space<vmem>> -> memref<1x80xi32, #tpu.memory_space<vmem>>
          %dma_start3A_77 = tpu.memref_squeeze %dma_start3A_76 : memref<1x80xi32, #tpu.memory_space<vmem>> -> memref<80xi32, #tpu.memory_space<vmem>>
          %dma_start3A_78 = arith.constant 0 : i32
          %dma_start3A_79 = arith.constant 0 : i32
          %dma_start3A_80 = tpu.memref_slice %arg13[%dma_start3A_78, %dma_start3A_79] : memref<10240x128xf32, #tpu.memory_space<vmem_shared>> -> memref<10240x128xf32, #tpu.memory_space<vmem_shared>>
          tpu.enqueue_indirect_dma source(%arg10 : memref<80x128xf32, #tpu.memory_space<vmem>>) target(%dma_start3A_80 : memref<10240x128xf32, #tpu.memory_space<vmem_shared>>) offsets(%dma_start3A_77 : memref<80xi32, #tpu.memory_space<vmem>>) semaphore(%run_scoped3A_74 : memref<!tpu.dma_semaphore, #tpu.memory_space<semaphore_mem>>) {add = true}
          %dma_wait3A_81 = arith.constant 0 : i32
          %dma_wait3A_82 = tpu.memref_slice %arg9[%mul3A_43, %dma_wait3A_81] : memref<125x80xi32, #tpu.memory_space<vmem>> -> memref<1x80xi32, #tpu.memory_space<vmem>>
          %dma_wait3A_83 = tpu.memref_squeeze %dma_wait3A_82 : memref<1x80xi32, #tpu.memory_space<vmem>> -> memref<80xi32, #tpu.memory_space<vmem>>
          %dma_wait3A_84 = arith.constant 0 : i32
          %dma_wait3A_85 = arith.constant 0 : i32
          %dma_wait3A_86 = tpu.memref_slice %arg13[%dma_wait3A_84, %dma_wait3A_85] : memref<10240x128xf32, #tpu.memory_space<vmem_shared>> -> memref<10240x128xf32, #tpu.memory_space<vmem_shared>>
          tpu.wait_indirect_dma semaphore(%run_scoped3A_74 : memref<!tpu.dma_semaphore, #tpu.memory_space<semaphore_mem>>) src(%arg10 : memref<80x128xf32, #tpu.memory_space<vmem>>) dst(%dma_wait3A_86 : memref<10240x128xf32, #tpu.memory_space<vmem_shared>>)
          tpu.yield
        }) : () -> ()
        %dma_wait3A_70 = tpu.memref_slice %arg8[%mul3A_48] : memref<10000xi32, #tpu.memory_space<vmem>> -> memref<80xi32, #tpu.memory_space<vmem>>
        %dma_wait3A_71 = arith.constant 0 : i32
        %dma_wait3A_72 = arith.constant 0 : i32
        %dma_wait3A_73 = tpu.memref_slice %arg3[%dma_wait3A_71, %dma_wait3A_72] : memref<10000x128xf32, #tpu.memory_space<hbm>> -> memref<10000x128xf32, #tpu.memory_space<hbm>>
        tpu.wait_indirect_dma semaphore(%arg15 : memref<!tpu.dma_semaphore, #tpu.memory_space<semaphore_mem>>) src(%dma_wait3A_73 : memref<10000x128xf32, #tpu.memory_space<hbm>>) dst(%arg11 : memref<80x128xf32, #tpu.memory_space<vmem>>)
        "tpu.region"() ({
          %run_scoped3A_74 = tpu.sem_alloc : memref<!tpu.dma_semaphore, #tpu.memory_space<semaphore_mem>>
          %dma_start3A_75 = arith.constant 0 : i32
          %dma_start3A_76 = tpu.memref_slice %arg9[%add3A_44, %dma_start3A_75] : memref<125x80xi32, #tpu.memory_space<vmem>> -> memref<1x80xi32, #tpu.memory_space<vmem>>
          %dma_start3A_77 = tpu.memref_squeeze %dma_start3A_76 : memref<1x80xi32, #tpu.memory_space<vmem>> -> memref<80xi32, #tpu.memory_space<vmem>>
          %dma_start3A_78 = arith.constant 0 : i32
          %dma_start3A_79 = arith.constant 0 : i32
          %dma_start3A_80 = tpu.memref_slice %arg13[%dma_start3A_78, %dma_start3A_79] : memref<10240x128xf32, #tpu.memory_space<vmem_shared>> -> memref<10240x128xf32, #tpu.memory_space<vmem_shared>>
          tpu.enqueue_indirect_dma source(%arg11 : memref<80x128xf32, #tpu.memory_space<vmem>>) target(%dma_start3A_80 : memref<10240x128xf32, #tpu.memory_space<vmem_shared>>) offsets(%dma_start3A_77 : memref<80xi32, #tpu.memory_space<vmem>>) semaphore(%run_scoped3A_74 : memref<!tpu.dma_semaphore, #tpu.memory_space<semaphore_mem>>) {add = true}
          %dma_wait3A_81 = arith.constant 0 : i32
          %dma_wait3A_82 = tpu.memref_slice %arg9[%add3A_44, %dma_wait3A_81] : memref<125x80xi32, #tpu.memory_space<vmem>> -> memref<1x80xi32, #tpu.memory_space<vmem>>
          %dma_wait3A_83 = tpu.memref_squeeze %dma_wait3A_82 : memref<1x80xi32, #tpu.memory_space<vmem>> -> memref<80xi32, #tpu.memory_space<vmem>>
          %dma_wait3A_84 = arith.constant 0 : i32
          %dma_wait3A_85 = arith.constant 0 : i32
          %dma_wait3A_86 = tpu.memref_slice %arg13[%dma_wait3A_84, %dma_wait3A_85] : memref<10240x128xf32, #tpu.memory_space<vmem_shared>> -> memref<10240x128xf32, #tpu.memory_space<vmem_shared>>
          tpu.wait_indirect_dma semaphore(%run_scoped3A_74 : memref<!tpu.dma_semaphore, #tpu.memory_space<semaphore_mem>>) src(%arg11 : memref<80x128xf32, #tpu.memory_space<vmem>>) dst(%dma_wait3A_86 : memref<10240x128xf32, #tpu.memory_space<vmem_shared>>)
          tpu.yield
        }) : () -> ()
      } else {
      }
      %scan3A_59 = arith.constant 0 : i32
      scf.yield %scan3A_59 : i32
    }
    %scan3A_20 = arith.constant 62 : i32
    %eq3A = arith.constant 0 : i32
    %eq3A_21 = arith.cmpi eq, %arg0, %eq3A : i32
    %convert_element_type3A = arith.extui %eq3A_21 : i1 to i32
    %cond3A = arith.constant 0 : i32
    %cond3A_22 = arith.cmpi ne, %convert_element_type3A, %cond3A : i32
    scf.if %cond3A_22 {
      %dma_start3A = arith.constant 9920 : i32
      %dma_start3A_40 = tpu.memref_slice %arg8[%dma_start3A] : memref<10000xi32, #tpu.memory_space<vmem>> -> memref<80xi32, #tpu.memory_space<vmem>>
      %dma_start3A_41 = arith.constant 0 : i32
      %dma_start3A_42 = arith.constant 0 : i32
      %dma_start3A_43 = tpu.memref_slice %arg2[%dma_start3A_41, %dma_start3A_42] : memref<10000x128xf32, #tpu.memory_space<hbm>> -> memref<10000x128xf32, #tpu.memory_space<hbm>>
      tpu.enqueue_indirect_dma source(%dma_start3A_43 : memref<10000x128xf32, #tpu.memory_space<hbm>>) target(%arg10 : memref<80x128xf32, #tpu.memory_space<vmem>>) offsets(%dma_start3A_40 : memref<80xi32, #tpu.memory_space<vmem>>) semaphore(%arg14 : memref<!tpu.dma_semaphore, #tpu.memory_space<semaphore_mem>>)
      %dma_wait3A = arith.constant 9920 : i32
      %dma_wait3A_44 = tpu.memref_slice %arg8[%dma_wait3A] : memref<10000xi32, #tpu.memory_space<vmem>> -> memref<80xi32, #tpu.memory_space<vmem>>
      %dma_wait3A_45 = arith.constant 0 : i32
      %dma_wait3A_46 = arith.constant 0 : i32
      %dma_wait3A_47 = tpu.memref_slice %arg2[%dma_wait3A_45, %dma_wait3A_46] : memref<10000x128xf32, #tpu.memory_space<hbm>> -> memref<10000x128xf32, #tpu.memory_space<hbm>>
      tpu.wait_indirect_dma semaphore(%arg14 : memref<!tpu.dma_semaphore, #tpu.memory_space<semaphore_mem>>) src(%dma_wait3A_47 : memref<10000x128xf32, #tpu.memory_space<hbm>>) dst(%arg10 : memref<80x128xf32, #tpu.memory_space<vmem>>)
    } else {
    }
    %eq3A_23 = arith.constant 1 : i32
    %eq3A_24 = arith.cmpi eq, %arg0, %eq3A_23 : i32
    %convert_element_type3A_25 = arith.extui %eq3A_24 : i1 to i32
    %cond3A_26 = arith.constant 0 : i32
    %cond3A_27 = arith.cmpi ne, %convert_element_type3A_25, %cond3A_26 : i32
    scf.if %cond3A_27 {
      %dma_start3A = arith.constant 9920 : i32
      %dma_start3A_40 = tpu.memref_slice %arg8[%dma_start3A] : memref<10000xi32, #tpu.memory_space<vmem>> -> memref<80xi32, #tpu.memory_space<vmem>>
      %dma_start3A_41 = arith.constant 0 : i32
      %dma_start3A_42 = arith.constant 0 : i32
      %dma_start3A_43 = tpu.memref_slice %arg3[%dma_start3A_41, %dma_start3A_42] : memref<10000x128xf32, #tpu.memory_space<hbm>> -> memref<10000x128xf32, #tpu.memory_space<hbm>>
      tpu.enqueue_indirect_dma source(%dma_start3A_43 : memref<10000x128xf32, #tpu.memory_space<hbm>>) target(%arg10 : memref<80x128xf32, #tpu.memory_space<vmem>>) offsets(%dma_start3A_40 : memref<80xi32, #tpu.memory_space<vmem>>) semaphore(%arg14 : memref<!tpu.dma_semaphore, #tpu.memory_space<semaphore_mem>>)
      %dma_wait3A = arith.constant 9920 : i32
      %dma_wait3A_44 = tpu.memref_slice %arg8[%dma_wait3A] : memref<10000xi32, #tpu.memory_space<vmem>> -> memref<80xi32, #tpu.memory_space<vmem>>
      %dma_wait3A_45 = arith.constant 0 : i32
      %dma_wait3A_46 = arith.constant 0 : i32
      %dma_wait3A_47 = tpu.memref_slice %arg3[%dma_wait3A_45, %dma_wait3A_46] : memref<10000x128xf32, #tpu.memory_space<hbm>> -> memref<10000x128xf32, #tpu.memory_space<hbm>>
      tpu.wait_indirect_dma semaphore(%arg14 : memref<!tpu.dma_semaphore, #tpu.memory_space<semaphore_mem>>) src(%dma_wait3A_47 : memref<10000x128xf32, #tpu.memory_space<hbm>>) dst(%arg10 : memref<80x128xf32, #tpu.memory_space<vmem>>)
    } else {
    }
    %run_scoped3A = arith.constant 124 : i32
    "tpu.region"() ({
      %run_scoped3A_40 = tpu.sem_alloc : memref<!tpu.dma_semaphore, #tpu.memory_space<semaphore_mem>>
      %dma_start3A = arith.constant 0 : i32
      %dma_start3A_41 = tpu.memref_slice %arg9[%run_scoped3A, %dma_start3A] : memref<125x80xi32, #tpu.memory_space<vmem>> -> memref<1x80xi32, #tpu.memory_space<vmem>>
      %dma_start3A_42 = tpu.memref_squeeze %dma_start3A_41 : memref<1x80xi32, #tpu.memory_space<vmem>> -> memref<80xi32, #tpu.memory_space<vmem>>
      %dma_start3A_43 = arith.constant 0 : i32
      %dma_start3A_44 = arith.constant 0 : i32
      %dma_start3A_45 = tpu.memref_slice %arg13[%dma_start3A_43, %dma_start3A_44] : memref<10240x128xf32, #tpu.memory_space<vmem_shared>> -> memref<10240x128xf32, #tpu.memory_space<vmem_shared>>
      tpu.enqueue_indirect_dma source(%arg10 : memref<80x128xf32, #tpu.memory_space<vmem>>) target(%dma_start3A_45 : memref<10240x128xf32, #tpu.memory_space<vmem_shared>>) offsets(%dma_start3A_42 : memref<80xi32, #tpu.memory_space<vmem>>) semaphore(%run_scoped3A_40 : memref<!tpu.dma_semaphore, #tpu.memory_space<semaphore_mem>>) {add = true}
      %dma_wait3A = arith.constant 0 : i32
      %dma_wait3A_46 = tpu.memref_slice %arg9[%run_scoped3A, %dma_wait3A] : memref<125x80xi32, #tpu.memory_space<vmem>> -> memref<1x80xi32, #tpu.memory_space<vmem>>
      %dma_wait3A_47 = tpu.memref_squeeze %dma_wait3A_46 : memref<1x80xi32, #tpu.memory_space<vmem>> -> memref<80xi32, #tpu.memory_space<vmem>>
      %dma_wait3A_48 = arith.constant 0 : i32
      %dma_wait3A_49 = arith.constant 0 : i32
      %dma_wait3A_50 = tpu.memref_slice %arg13[%dma_wait3A_48, %dma_wait3A_49] : memref<10240x128xf32, #tpu.memory_space<vmem_shared>> -> memref<10240x128xf32, #tpu.memory_space<vmem_shared>>
      tpu.wait_indirect_dma semaphore(%run_scoped3A_40 : memref<!tpu.dma_semaphore, #tpu.memory_space<semaphore_mem>>) src(%arg10 : memref<80x128xf32, #tpu.memory_space<vmem>>) dst(%dma_wait3A_50 : memref<10240x128xf32, #tpu.memory_space<vmem_shared>>)
      tpu.yield
    }) : () -> ()
    %barrier3A_28 = arith.constant 0 : index
    tpu.barrier barrier_id(%barrier3A_28)
    %mul3A = arith.constant 640 : i32
    %mul3A_29 = arith.muli %arg1, %mul3A : i32
    %eq3A_30 = arith.constant 0 : i32
    %eq3A_31 = arith.cmpi eq, %arg0, %eq3A_30 : i32
    %convert_element_type3A_32 = arith.extui %eq3A_31 : i1 to i32
    %cond3A_33 = arith.constant 0 : i32
    %cond3A_34 = arith.cmpi ne, %convert_element_type3A_32, %cond3A_33 : i32
    scf.if %cond3A_34 {
      "tpu.region"() ({
        %run_scoped3A_40 = tpu.sem_alloc : memref<!tpu.dma_semaphore, #tpu.memory_space<semaphore_mem>>
        %dma_start3A = arith.constant 0 : i32
        %dma_start3A_41 = tpu.memref_slice %arg6[%mul3A_29, %dma_start3A] : memref<10240x128xf32, #tpu.memory_space<hbm>> -> memref<640x128xf32, #tpu.memory_space<hbm>>
        %dma_start3A_42 = arith.constant 0 : i32
        %dma_start3A_43 = tpu.memref_slice %arg13[%mul3A_29, %dma_start3A_42] : memref<10240x128xf32, #tpu.memory_space<vmem_shared>> -> memref<640x128xf32, #tpu.memory_space<vmem_shared>>
        tpu.enqueue_dma source(%dma_start3A_43 : memref<640x128xf32, #tpu.memory_space<vmem_shared>>) target(%dma_start3A_41 : memref<640x128xf32, #tpu.memory_space<hbm>>) target_semaphore(%run_scoped3A_40 : memref<!tpu.dma_semaphore, #tpu.memory_space<semaphore_mem>>)
        %dma_wait3A = arith.constant 0 : i32
        %dma_wait3A_44 = tpu.memref_slice %arg6[%mul3A_29, %dma_wait3A] : memref<10240x128xf32, #tpu.memory_space<hbm>> -> memref<640x128xf32, #tpu.memory_space<hbm>>
        %dma_wait3A_45 = arith.constant 0 : i32
        %dma_wait3A_46 = tpu.memref_slice %arg13[%mul3A_29, %dma_wait3A_45] : memref<10240x128xf32, #tpu.memory_space<vmem_shared>> -> memref<640x128xf32, #tpu.memory_space<vmem_shared>>
        tpu.wait_dma2 semaphore(%run_scoped3A_40 : memref<!tpu.dma_semaphore, #tpu.memory_space<semaphore_mem>>) src(%dma_wait3A_46 : memref<640x128xf32, #tpu.memory_space<vmem_shared>>) dst(%dma_wait3A_44 : memref<640x128xf32, #tpu.memory_space<hbm>>)
        tpu.yield
      }) : () -> ()
    } else {
    }
    %eq3A_35 = arith.constant 1 : i32
    %eq3A_36 = arith.cmpi eq, %arg0, %eq3A_35 : i32
    %convert_element_type3A_37 = arith.extui %eq3A_36 : i1 to i32
    %cond3A_38 = arith.constant 0 : i32
    %cond3A_39 = arith.cmpi ne, %convert_element_type3A_37, %cond3A_38 : i32
    scf.if %cond3A_39 {
      "tpu.region"() ({
        %run_scoped3A_40 = tpu.sem_alloc : memref<!tpu.dma_semaphore, #tpu.memory_space<semaphore_mem>>
        %dma_start3A = arith.constant 0 : i32
        %dma_start3A_41 = tpu.memref_slice %arg7[%mul3A_29, %dma_start3A] : memref<10240x128xf32, #tpu.memory_space<hbm>> -> memref<640x128xf32, #tpu.memory_space<hbm>>
        %dma_start3A_42 = arith.constant 0 : i32
        %dma_start3A_43 = tpu.memref_slice %arg13[%mul3A_29, %dma_start3A_42] : memref<10240x128xf32, #tpu.memory_space<vmem_shared>> -> memref<640x128xf32, #tpu.memory_space<vmem_shared>>
        tpu.enqueue_dma source(%dma_start3A_43 : memref<640x128xf32, #tpu.memory_space<vmem_shared>>) target(%dma_start3A_41 : memref<640x128xf32, #tpu.memory_space<hbm>>) target_semaphore(%run_scoped3A_40 : memref<!tpu.dma_semaphore, #tpu.memory_space<semaphore_mem>>)
        %dma_wait3A = arith.constant 0 : i32
        %dma_wait3A_44 = tpu.memref_slice %arg7[%mul3A_29, %dma_wait3A] : memref<10240x128xf32, #tpu.memory_space<hbm>> -> memref<640x128xf32, #tpu.memory_space<hbm>>
        %dma_wait3A_45 = arith.constant 0 : i32
        %dma_wait3A_46 = tpu.memref_slice %arg13[%mul3A_29, %dma_wait3A_45] : memref<10240x128xf32, #tpu.memory_space<vmem_shared>> -> memref<640x128xf32, #tpu.memory_space<vmem_shared>>
        tpu.wait_dma2 semaphore(%run_scoped3A_40 : memref<!tpu.dma_semaphore, #tpu.memory_space<semaphore_mem>>) src(%dma_wait3A_46 : memref<640x128xf32, #tpu.memory_space<vmem_shared>>) dst(%dma_wait3A_44 : memref<640x128xf32, #tpu.memory_space<hbm>>)
        tpu.yield
      }) : () -> ()
    } else {
    }
    return
  }
}

#map = affine_map<(d0, d1) -> (0, 0, 0)>
#map1 = affine_map<(d0, d1) -> (0, 0, 0, 0)>
#map2 = affine_map<(d0, d1) -> (0, 0)>
module attributes {stable_mosaic.version = 14 : i64} {
  func.func @body(%arg0: i32, %arg1: i32, %arg2: memref<2x16x5120xi32, #tpu.memory_space<hbm>>, %arg3: memref<2x16x40x128xi32, #tpu.memory_space<hbm>>, %arg4: memref<1152x128xf32, #tpu.memory_space<hbm>>, %arg5: memref<10240x128xf32, #tpu.memory_space<hbm>>, %arg6: memref<10240x128xf32, #tpu.memory_space<hbm>>, %arg7: memref<5120xi32, #tpu.memory_space<vmem>>, %arg8: memref<40x128xi32, #tpu.memory_space<vmem>>, %arg9: memref<128x128xf32, #tpu.memory_space<vmem>>, %arg10: memref<128x128xf32, #tpu.memory_space<vmem>>, %arg11: memref<8x128xf32, #tpu.memory_space<vmem>>, %arg12: memref<10240x128xf32, #tpu.memory_space<vmem_shared>>, %arg13: memref<!tpu.dma_semaphore, #tpu.memory_space<semaphore_mem>>, %arg14: memref<!tpu.dma_semaphore, #tpu.memory_space<semaphore_mem>>) attributes {dimension_semantics = [#tpu.dimension_semantics<core_parallel>, #tpu.dimension_semantics<subcore_parallel>], iteration_bounds = array<i64: 2, 16>, scalar_prefetch = 0 : i64, scratch_operands = 8 : i64, tpu.core_type = #tpu.core_type<sc_vector_subcore>, window_params = [{transform_indices = #map}, {transform_indices = #map1}, {transform_indices = #map2}, {transform_indices = #map2}, {transform_indices = #map2}]} {
    %broadcast_in_dim3A = arith.constant 0.000000e+00 : f32
    %broadcast_in_dim3A_0 = vector.broadcast %broadcast_in_dim3A : f32 to vector<16xf32>
    %scan3A = arith.constant 0 : i32
    %scan3A_1 = arith.constant 0 : i32
    %scan3A_2 = arith.constant 8 : i32
    %scan3A_3 = arith.addi %scan3A_1, %scan3A_2 : i32
    %scan3A_4 = arith.constant 1 : i32
    %scan3A_5 = scf.for %scan3A_30 = %scan3A_1 to %scan3A_3 step %scan3A_4 iter_args(%scan3A_31 = %scan3A) -> (i32)  : i32 {
      %scan3A_32 = arith.constant 0 : i32
      %scan3A_33 = arith.constant 0 : i32
      %scan3A_34 = arith.constant 8 : i32
      %scan3A_35 = arith.addi %scan3A_33, %scan3A_34 : i32
      %scan3A_36 = arith.constant 1 : i32
      %scan3A_37 = scf.for %scan3A_39 = %scan3A_33 to %scan3A_35 step %scan3A_36 iter_args(%scan3A_40 = %scan3A_32) -> (i32)  : i32 {
        %mul3A_41 = arith.constant 16 : i32
        %mul3A_42 = arith.muli %scan3A_39, %mul3A_41 : i32
        %swap3A = arith.index_cast %scan3A_30 : i32 to index
        %swap3A_43 = arith.index_cast %mul3A_42 : i32 to index
        %swap3A_44 = tpu.vector_load %arg11[%swap3A, %swap3A_43] {strides = array<i32>} : memref<8x128xf32, #tpu.memory_space<vmem>>, vector<1x16xf32>,
        %swap3A_45 = vector.shape_cast %swap3A_44 : vector<1x16xf32> to vector<16xf32>
        %swap3A_46 = vector.shape_cast %broadcast_in_dim3A_0 : vector<16xf32> to vector<1x16xf32>
        tpu.vector_store %arg11[%swap3A, %swap3A_43], %swap3A_46 {strides = array<i32>} : memref<8x128xf32, #tpu.memory_space<vmem>>, vector<1x16xf32>,
        %scan3A_47 = arith.constant 0 : i32
        scf.yield %scan3A_47 : i32
      }
      %scan3A_38 = arith.constant 8 : i32
      scf.yield %scan3A_37 : i32
    }
    %scan3A_6 = arith.constant 8 : i32
    %scan3A_7 = arith.constant 0 : i32
    %scan3A_8 = arith.constant 0 : i32
    %scan3A_9 = arith.constant 80 : i32
    %scan3A_10 = arith.addi %scan3A_8, %scan3A_9 : i32
    %scan3A_11 = arith.constant 1 : i32
    %scan3A_12 = scf.for %scan3A_30 = %scan3A_8 to %scan3A_10 step %scan3A_11 iter_args(%scan3A_31 = %scan3A_7) -> (i32)  : i32 {
      %mul3A_32 = arith.constant 640 : i32
      %mul3A_33 = arith.muli %arg1, %mul3A_32 : i32
      %mul3A_34 = arith.constant 8 : i32
      %mul3A_35 = arith.muli %scan3A_30, %mul3A_34 : i32
      %add3A = arith.addi %mul3A_33, %mul3A_35 : i32
      "tpu.region"() ({
        %run_scoped3A = tpu.sem_alloc : memref<!tpu.dma_semaphore, #tpu.memory_space<semaphore_mem>>
        %dma_start3A = arith.constant 0 : i32
        %dma_start3A_37 = tpu.memref_slice %arg12[%add3A, %dma_start3A] : memref<10240x128xf32, #tpu.memory_space<vmem_shared>> -> memref<8x128xf32, #tpu.memory_space<vmem_shared>>
        %dma_start3A_38 = arith.constant 0 : i32
        %dma_start3A_39 = tpu.memref_slice %arg12[%add3A, %dma_start3A_38] : memref<10240x128xf32, #tpu.memory_space<vmem_shared>> -> memref<8x128xf32, #tpu.memory_space<vmem_shared>>
        tpu.enqueue_dma source(%arg11 : memref<8x128xf32, #tpu.memory_space<vmem>>) target(%dma_start3A_39 : memref<8x128xf32, #tpu.memory_space<vmem_shared>>) target_semaphore(%run_scoped3A : memref<!tpu.dma_semaphore, #tpu.memory_space<semaphore_mem>>)
        %dma_wait3A = arith.constant 0 : i32
        %dma_wait3A_40 = tpu.memref_slice %arg12[%add3A, %dma_wait3A] : memref<10240x128xf32, #tpu.memory_space<vmem_shared>> -> memref<8x128xf32, #tpu.memory_space<vmem_shared>>
        %dma_wait3A_41 = arith.constant 0 : i32
        %dma_wait3A_42 = tpu.memref_slice %arg12[%add3A, %dma_wait3A_41] : memref<10240x128xf32, #tpu.memory_space<vmem_shared>> -> memref<8x128xf32, #tpu.memory_space<vmem_shared>>
        tpu.wait_dma2 semaphore(%run_scoped3A : memref<!tpu.dma_semaphore, #tpu.memory_space<semaphore_mem>>) src(%arg11 : memref<8x128xf32, #tpu.memory_space<vmem>>) dst(%dma_wait3A_42 : memref<8x128xf32, #tpu.memory_space<vmem_shared>>)
        tpu.yield
      }) : () -> ()
      %scan3A_36 = arith.constant 0 : i32
      scf.yield %scan3A_36 : i32
    }
    %scan3A_13 = arith.constant 80 : i32
    "tpu.region"() ({
      %run_scoped3A = tpu.sem_alloc : memref<!tpu.dma_semaphore, #tpu.memory_space<semaphore_mem>>
      %dma_start3A = arith.constant 0 : i32
      %dma_start3A_30 = tpu.memref_slice %arg2[%arg0, %arg1, %dma_start3A] : memref<2x16x5120xi32, #tpu.memory_space<hbm>> -> memref<1x1x5120xi32, #tpu.memory_space<hbm>>
      %dma_start3A_31 = tpu.memref_squeeze %dma_start3A_30 : memref<1x1x5120xi32, #tpu.memory_space<hbm>> -> memref<5120xi32, #tpu.memory_space<hbm>>
      %dma_start3A_32 = arith.constant 0 : i32
      %dma_start3A_33 = tpu.memref_slice %arg2[%arg0, %arg1, %dma_start3A_32] : memref<2x16x5120xi32, #tpu.memory_space<hbm>> -> memref<1x1x5120xi32, #tpu.memory_space<hbm>>
      %dma_start3A_34 = tpu.memref_squeeze %dma_start3A_33 : memref<1x1x5120xi32, #tpu.memory_space<hbm>> -> memref<5120xi32, #tpu.memory_space<hbm>>
      tpu.enqueue_dma source(%dma_start3A_34 : memref<5120xi32, #tpu.memory_space<hbm>>) target(%arg7 : memref<5120xi32, #tpu.memory_space<vmem>>) target_semaphore(%run_scoped3A : memref<!tpu.dma_semaphore, #tpu.memory_space<semaphore_mem>>)
      %dma_wait3A = arith.constant 0 : i32
      %dma_wait3A_35 = tpu.memref_slice %arg2[%arg0, %arg1, %dma_wait3A] : memref<2x16x5120xi32, #tpu.memory_space<hbm>> -> memref<1x1x5120xi32, #tpu.memory_space<hbm>>
      %dma_wait3A_36 = tpu.memref_squeeze %dma_wait3A_35 : memref<1x1x5120xi32, #tpu.memory_space<hbm>> -> memref<5120xi32, #tpu.memory_space<hbm>>
      %dma_wait3A_37 = arith.constant 0 : i32
      %dma_wait3A_38 = tpu.memref_slice %arg2[%arg0, %arg1, %dma_wait3A_37] : memref<2x16x5120xi32, #tpu.memory_space<hbm>> -> memref<1x1x5120xi32, #tpu.memory_space<hbm>>
      %dma_wait3A_39 = tpu.memref_squeeze %dma_wait3A_38 : memref<1x1x5120xi32, #tpu.memory_space<hbm>> -> memref<5120xi32, #tpu.memory_space<hbm>>
      tpu.wait_dma2 semaphore(%run_scoped3A : memref<!tpu.dma_semaphore, #tpu.memory_space<semaphore_mem>>) src(%dma_wait3A_39 : memref<5120xi32, #tpu.memory_space<hbm>>) dst(%arg7 : memref<5120xi32, #tpu.memory_space<vmem>>)
      tpu.yield
    }) : () -> ()
    "tpu.region"() ({
      %run_scoped3A = tpu.sem_alloc : memref<!tpu.dma_semaphore, #tpu.memory_space<semaphore_mem>>
      %dma_start3A = arith.constant 0 : i32
      %dma_start3A_30 = arith.constant 0 : i32
      %dma_start3A_31 = tpu.memref_slice %arg3[%arg0, %arg1, %dma_start3A, %dma_start3A_30] : memref<2x16x40x128xi32, #tpu.memory_space<hbm>> -> memref<1x1x40x128xi32, #tpu.memory_space<hbm>>
      %dma_start3A_32 = tpu.memref_squeeze %dma_start3A_31 : memref<1x1x40x128xi32, #tpu.memory_space<hbm>> -> memref<40x128xi32, #tpu.memory_space<hbm>>
      %dma_start3A_33 = arith.constant 0 : i32
      %dma_start3A_34 = arith.constant 0 : i32
      %dma_start3A_35 = tpu.memref_slice %arg3[%arg0, %arg1, %dma_start3A_33, %dma_start3A_34] : memref<2x16x40x128xi32, #tpu.memory_space<hbm>> -> memref<1x1x40x128xi32, #tpu.memory_space<hbm>>
      %dma_start3A_36 = tpu.memref_squeeze %dma_start3A_35 : memref<1x1x40x128xi32, #tpu.memory_space<hbm>> -> memref<40x128xi32, #tpu.memory_space<hbm>>
      tpu.enqueue_dma source(%dma_start3A_36 : memref<40x128xi32, #tpu.memory_space<hbm>>) target(%arg8 : memref<40x128xi32, #tpu.memory_space<vmem>>) target_semaphore(%run_scoped3A : memref<!tpu.dma_semaphore, #tpu.memory_space<semaphore_mem>>)
      %dma_wait3A = arith.constant 0 : i32
      %dma_wait3A_37 = arith.constant 0 : i32
      %dma_wait3A_38 = tpu.memref_slice %arg3[%arg0, %arg1, %dma_wait3A, %dma_wait3A_37] : memref<2x16x40x128xi32, #tpu.memory_space<hbm>> -> memref<1x1x40x128xi32, #tpu.memory_space<hbm>>
      %dma_wait3A_39 = tpu.memref_squeeze %dma_wait3A_38 : memref<1x1x40x128xi32, #tpu.memory_space<hbm>> -> memref<40x128xi32, #tpu.memory_space<hbm>>
      %dma_wait3A_40 = arith.constant 0 : i32
      %dma_wait3A_41 = arith.constant 0 : i32
      %dma_wait3A_42 = tpu.memref_slice %arg3[%arg0, %arg1, %dma_wait3A_40, %dma_wait3A_41] : memref<2x16x40x128xi32, #tpu.memory_space<hbm>> -> memref<1x1x40x128xi32, #tpu.memory_space<hbm>>
      %dma_wait3A_43 = tpu.memref_squeeze %dma_wait3A_42 : memref<1x1x40x128xi32, #tpu.memory_space<hbm>> -> memref<40x128xi32, #tpu.memory_space<hbm>>
      tpu.wait_dma2 semaphore(%run_scoped3A : memref<!tpu.dma_semaphore, #tpu.memory_space<semaphore_mem>>) src(%dma_wait3A_43 : memref<40x128xi32, #tpu.memory_space<hbm>>) dst(%arg8 : memref<40x128xi32, #tpu.memory_space<vmem>>)
      tpu.yield
    }) : () -> ()
    %barrier3A = arith.constant 0 : index
    tpu.barrier barrier_id(%barrier3A)
    %scan3A_14 = arith.constant 0 : i32
    %scan3A_15 = arith.constant 0 : i32
    %scan3A_16 = arith.constant 20 : i32
    %scan3A_17 = arith.addi %scan3A_15, %scan3A_16 : i32
    %scan3A_18 = arith.constant 1 : i32
    %scan3A_19 = scf.for %scan3A_30 = %scan3A_15 to %scan3A_17 step %scan3A_18 iter_args(%scan3A_31 = %scan3A_14) -> (i32)  : i32 {
      %mul3A_32 = arith.constant 2 : i32
      %mul3A_33 = arith.muli %mul3A_32, %scan3A_30 : i32
      %add3A = arith.constant 1 : i32
      %add3A_34 = arith.addi %mul3A_33, %add3A : i32
      %mul3A_35 = arith.constant 128 : i32
      %mul3A_36 = arith.muli %mul3A_33, %mul3A_35 : i32
      %dma_start3A = tpu.memref_slice %arg7[%mul3A_36] : memref<5120xi32, #tpu.memory_space<vmem>> -> memref<128xi32, #tpu.memory_space<vmem>>
      %dma_start3A_37 = arith.constant 0 : i32
      %dma_start3A_38 = arith.constant 0 : i32
      %dma_start3A_39 = tpu.memref_slice %arg4[%dma_start3A_37, %dma_start3A_38] : memref<1152x128xf32, #tpu.memory_space<hbm>> -> memref<1152x128xf32, #tpu.memory_space<hbm>>
      tpu.enqueue_indirect_dma source(%dma_start3A_39 : memref<1152x128xf32, #tpu.memory_space<hbm>>) target(%arg9 : memref<128x128xf32, #tpu.memory_space<vmem>>) offsets(%dma_start3A : memref<128xi32, #tpu.memory_space<vmem>>) semaphore(%arg13 : memref<!tpu.dma_semaphore, #tpu.memory_space<semaphore_mem>>)
      %mul3A_40 = arith.constant 128 : i32
      %mul3A_41 = arith.muli %add3A_34, %mul3A_40 : i32
      %dma_start3A_42 = tpu.memref_slice %arg7[%mul3A_41] : memref<5120xi32, #tpu.memory_space<vmem>> -> memref<128xi32, #tpu.memory_space<vmem>>
      %dma_start3A_43 = arith.constant 0 : i32
      %dma_start3A_44 = arith.constant 0 : i32
      %dma_start3A_45 = tpu.memref_slice %arg4[%dma_start3A_43, %dma_start3A_44] : memref<1152x128xf32, #tpu.memory_space<hbm>> -> memref<1152x128xf32, #tpu.memory_space<hbm>>
      tpu.enqueue_indirect_dma source(%dma_start3A_45 : memref<1152x128xf32, #tpu.memory_space<hbm>>) target(%arg10 : memref<128x128xf32, #tpu.memory_space<vmem>>) offsets(%dma_start3A_42 : memref<128xi32, #tpu.memory_space<vmem>>) semaphore(%arg14 : memref<!tpu.dma_semaphore, #tpu.memory_space<semaphore_mem>>)
      %dma_wait3A = tpu.memref_slice %arg7[%mul3A_36] : memref<5120xi32, #tpu.memory_space<vmem>> -> memref<128xi32, #tpu.memory_space<vmem>>
      %dma_wait3A_46 = arith.constant 0 : i32
      %dma_wait3A_47 = arith.constant 0 : i32
      %dma_wait3A_48 = tpu.memref_slice %arg4[%dma_wait3A_46, %dma_wait3A_47] : memref<1152x128xf32, #tpu.memory_space<hbm>> -> memref<1152x128xf32, #tpu.memory_space<hbm>>
      tpu.wait_indirect_dma semaphore(%arg13 : memref<!tpu.dma_semaphore, #tpu.memory_space<semaphore_mem>>) src(%dma_wait3A_48 : memref<1152x128xf32, #tpu.memory_space<hbm>>) dst(%arg9 : memref<128x128xf32, #tpu.memory_space<vmem>>)
      "tpu.region"() ({
        %run_scoped3A = tpu.sem_alloc : memref<!tpu.dma_semaphore, #tpu.memory_space<semaphore_mem>>
        %dma_start3A_54 = arith.constant 0 : i32
        %dma_start3A_55 = tpu.memref_slice %arg8[%mul3A_33, %dma_start3A_54] : memref<40x128xi32, #tpu.memory_space<vmem>> -> memref<1x128xi32, #tpu.memory_space<vmem>>
        %dma_start3A_56 = tpu.memref_squeeze %dma_start3A_55 : memref<1x128xi32, #tpu.memory_space<vmem>> -> memref<128xi32, #tpu.memory_space<vmem>>
        %dma_start3A_57 = arith.constant 0 : i32
        %dma_start3A_58 = arith.constant 0 : i32
        %dma_start3A_59 = tpu.memref_slice %arg12[%dma_start3A_57, %dma_start3A_58] : memref<10240x128xf32, #tpu.memory_space<vmem_shared>> -> memref<10240x128xf32, #tpu.memory_space<vmem_shared>>
        tpu.enqueue_indirect_dma source(%arg9 : memref<128x128xf32, #tpu.memory_space<vmem>>) target(%dma_start3A_59 : memref<10240x128xf32, #tpu.memory_space<vmem_shared>>) offsets(%dma_start3A_56 : memref<128xi32, #tpu.memory_space<vmem>>) semaphore(%run_scoped3A : memref<!tpu.dma_semaphore, #tpu.memory_space<semaphore_mem>>) {add = true}
        %dma_wait3A_60 = arith.constant 0 : i32
        %dma_wait3A_61 = tpu.memref_slice %arg8[%mul3A_33, %dma_wait3A_60] : memref<40x128xi32, #tpu.memory_space<vmem>> -> memref<1x128xi32, #tpu.memory_space<vmem>>
        %dma_wait3A_62 = tpu.memref_squeeze %dma_wait3A_61 : memref<1x128xi32, #tpu.memory_space<vmem>> -> memref<128xi32, #tpu.memory_space<vmem>>
        %dma_wait3A_63 = arith.constant 0 : i32
        %dma_wait3A_64 = arith.constant 0 : i32
        %dma_wait3A_65 = tpu.memref_slice %arg12[%dma_wait3A_63, %dma_wait3A_64] : memref<10240x128xf32, #tpu.memory_space<vmem_shared>> -> memref<10240x128xf32, #tpu.memory_space<vmem_shared>>
        tpu.wait_indirect_dma semaphore(%run_scoped3A : memref<!tpu.dma_semaphore, #tpu.memory_space<semaphore_mem>>) src(%arg9 : memref<128x128xf32, #tpu.memory_space<vmem>>) dst(%dma_wait3A_65 : memref<10240x128xf32, #tpu.memory_space<vmem_shared>>)
        tpu.yield
      }) : () -> ()
      %dma_wait3A_49 = tpu.memref_slice %arg7[%mul3A_41] : memref<5120xi32, #tpu.memory_space<vmem>> -> memref<128xi32, #tpu.memory_space<vmem>>
      %dma_wait3A_50 = arith.constant 0 : i32
      %dma_wait3A_51 = arith.constant 0 : i32
      %dma_wait3A_52 = tpu.memref_slice %arg4[%dma_wait3A_50, %dma_wait3A_51] : memref<1152x128xf32, #tpu.memory_space<hbm>> -> memref<1152x128xf32, #tpu.memory_space<hbm>>
      tpu.wait_indirect_dma semaphore(%arg14 : memref<!tpu.dma_semaphore, #tpu.memory_space<semaphore_mem>>) src(%dma_wait3A_52 : memref<1152x128xf32, #tpu.memory_space<hbm>>) dst(%arg10 : memref<128x128xf32, #tpu.memory_space<vmem>>)
      "tpu.region"() ({
        %run_scoped3A = tpu.sem_alloc : memref<!tpu.dma_semaphore, #tpu.memory_space<semaphore_mem>>
        %dma_start3A_54 = arith.constant 0 : i32
        %dma_start3A_55 = tpu.memref_slice %arg8[%add3A_34, %dma_start3A_54] : memref<40x128xi32, #tpu.memory_space<vmem>> -> memref<1x128xi32, #tpu.memory_space<vmem>>
        %dma_start3A_56 = tpu.memref_squeeze %dma_start3A_55 : memref<1x128xi32, #tpu.memory_space<vmem>> -> memref<128xi32, #tpu.memory_space<vmem>>
        %dma_start3A_57 = arith.constant 0 : i32
        %dma_start3A_58 = arith.constant 0 : i32
        %dma_start3A_59 = tpu.memref_slice %arg12[%dma_start3A_57, %dma_start3A_58] : memref<10240x128xf32, #tpu.memory_space<vmem_shared>> -> memref<10240x128xf32, #tpu.memory_space<vmem_shared>>
        tpu.enqueue_indirect_dma source(%arg10 : memref<128x128xf32, #tpu.memory_space<vmem>>) target(%dma_start3A_59 : memref<10240x128xf32, #tpu.memory_space<vmem_shared>>) offsets(%dma_start3A_56 : memref<128xi32, #tpu.memory_space<vmem>>) semaphore(%run_scoped3A : memref<!tpu.dma_semaphore, #tpu.memory_space<semaphore_mem>>) {add = true}
        %dma_wait3A_60 = arith.constant 0 : i32
        %dma_wait3A_61 = tpu.memref_slice %arg8[%add3A_34, %dma_wait3A_60] : memref<40x128xi32, #tpu.memory_space<vmem>> -> memref<1x128xi32, #tpu.memory_space<vmem>>
        %dma_wait3A_62 = tpu.memref_squeeze %dma_wait3A_61 : memref<1x128xi32, #tpu.memory_space<vmem>> -> memref<128xi32, #tpu.memory_space<vmem>>
        %dma_wait3A_63 = arith.constant 0 : i32
        %dma_wait3A_64 = arith.constant 0 : i32
        %dma_wait3A_65 = tpu.memref_slice %arg12[%dma_wait3A_63, %dma_wait3A_64] : memref<10240x128xf32, #tpu.memory_space<vmem_shared>> -> memref<10240x128xf32, #tpu.memory_space<vmem_shared>>
        tpu.wait_indirect_dma semaphore(%run_scoped3A : memref<!tpu.dma_semaphore, #tpu.memory_space<semaphore_mem>>) src(%arg10 : memref<128x128xf32, #tpu.memory_space<vmem>>) dst(%dma_wait3A_65 : memref<10240x128xf32, #tpu.memory_space<vmem_shared>>)
        tpu.yield
      }) : () -> ()
      %scan3A_53 = arith.constant 0 : i32
      scf.yield %scan3A_53 : i32
    }
    %scan3A_20 = arith.constant 20 : i32
    %barrier3A_21 = arith.constant 0 : index
    tpu.barrier barrier_id(%barrier3A_21)
    %mul3A = arith.constant 640 : i32
    %mul3A_22 = arith.muli %arg1, %mul3A : i32
    %eq3A = arith.constant 0 : i32
    %eq3A_23 = arith.cmpi eq, %arg0, %eq3A : i32
    %convert_element_type3A = arith.extui %eq3A_23 : i1 to i32
    %cond3A = arith.constant 0 : i32
    %cond3A_24 = arith.cmpi ne, %convert_element_type3A, %cond3A : i32
    scf.if %cond3A_24 {
      "tpu.region"() ({
        %run_scoped3A = tpu.sem_alloc : memref<!tpu.dma_semaphore, #tpu.memory_space<semaphore_mem>>
        %dma_start3A = arith.constant 0 : i32
        %dma_start3A_30 = tpu.memref_slice %arg5[%mul3A_22, %dma_start3A] : memref<10240x128xf32, #tpu.memory_space<hbm>> -> memref<640x128xf32, #tpu.memory_space<hbm>>
        %dma_start3A_31 = arith.constant 0 : i32
        %dma_start3A_32 = tpu.memref_slice %arg12[%mul3A_22, %dma_start3A_31] : memref<10240x128xf32, #tpu.memory_space<vmem_shared>> -> memref<640x128xf32, #tpu.memory_space<vmem_shared>>
        tpu.enqueue_dma source(%dma_start3A_32 : memref<640x128xf32, #tpu.memory_space<vmem_shared>>) target(%dma_start3A_30 : memref<640x128xf32, #tpu.memory_space<hbm>>) target_semaphore(%run_scoped3A : memref<!tpu.dma_semaphore, #tpu.memory_space<semaphore_mem>>)
        %dma_wait3A = arith.constant 0 : i32
        %dma_wait3A_33 = tpu.memref_slice %arg5[%mul3A_22, %dma_wait3A] : memref<10240x128xf32, #tpu.memory_space<hbm>> -> memref<640x128xf32, #tpu.memory_space<hbm>>
        %dma_wait3A_34 = arith.constant 0 : i32
        %dma_wait3A_35 = tpu.memref_slice %arg12[%mul3A_22, %dma_wait3A_34] : memref<10240x128xf32, #tpu.memory_space<vmem_shared>> -> memref<640x128xf32, #tpu.memory_space<vmem_shared>>
        tpu.wait_dma2 semaphore(%run_scoped3A : memref<!tpu.dma_semaphore, #tpu.memory_space<semaphore_mem>>) src(%dma_wait3A_35 : memref<640x128xf32, #tpu.memory_space<vmem_shared>>) dst(%dma_wait3A_33 : memref<640x128xf32, #tpu.memory_space<hbm>>)
        tpu.yield
      }) : () -> ()
    } else {
    }
    %eq3A_25 = arith.constant 1 : i32
    %eq3A_26 = arith.cmpi eq, %arg0, %eq3A_25 : i32
    %convert_element_type3A_27 = arith.extui %eq3A_26 : i1 to i32
    %cond3A_28 = arith.constant 0 : i32
    %cond3A_29 = arith.cmpi ne, %convert_element_type3A_27, %cond3A_28 : i32
    scf.if %cond3A_29 {
      "tpu.region"() ({
        %run_scoped3A = tpu.sem_alloc : memref<!tpu.dma_semaphore, #tpu.memory_space<semaphore_mem>>
        %dma_start3A = arith.constant 0 : i32
        %dma_start3A_30 = tpu.memref_slice %arg6[%mul3A_22, %dma_start3A] : memref<10240x128xf32, #tpu.memory_space<hbm>> -> memref<640x128xf32, #tpu.memory_space<hbm>>
        %dma_start3A_31 = arith.constant 0 : i32
        %dma_start3A_32 = tpu.memref_slice %arg12[%mul3A_22, %dma_start3A_31] : memref<10240x128xf32, #tpu.memory_space<vmem_shared>> -> memref<640x128xf32, #tpu.memory_space<vmem_shared>>
        tpu.enqueue_dma source(%dma_start3A_32 : memref<640x128xf32, #tpu.memory_space<vmem_shared>>) target(%dma_start3A_30 : memref<640x128xf32, #tpu.memory_space<hbm>>) target_semaphore(%run_scoped3A : memref<!tpu.dma_semaphore, #tpu.memory_space<semaphore_mem>>)
        %dma_wait3A = arith.constant 0 : i32
        %dma_wait3A_33 = tpu.memref_slice %arg6[%mul3A_22, %dma_wait3A] : memref<10240x128xf32, #tpu.memory_space<hbm>> -> memref<640x128xf32, #tpu.memory_space<hbm>>
        %dma_wait3A_34 = arith.constant 0 : i32
        %dma_wait3A_35 = tpu.memref_slice %arg12[%mul3A_22, %dma_wait3A_34] : memref<10240x128xf32, #tpu.memory_space<vmem_shared>> -> memref<640x128xf32, #tpu.memory_space<vmem_shared>>
        tpu.wait_dma2 semaphore(%run_scoped3A : memref<!tpu.dma_semaphore, #tpu.memory_space<semaphore_mem>>) src(%dma_wait3A_35 : memref<640x128xf32, #tpu.memory_space<vmem_shared>>) dst(%dma_wait3A_33 : memref<640x128xf32, #tpu.memory_space<hbm>>)
        tpu.yield
      }) : () -> ()
    } else {
    }
    return
  }
}

module attributes {stable_mosaic.version = 14 : i64} {
  func.func @body(%arg0: i32, %arg1: memref<400x256xf32, #tpu.memory_space<vmem>>, %arg2: memref<256x256xf32, #tpu.memory_space<vmem>>, %arg3: memref<400x1xf32, #tpu.memory_space<vmem>>, %arg4: memref<1x256xf32, #tpu.memory_space<vmem>>, %arg5: memref<1x1xf32, #tpu.memory_space<vmem>>, %arg6: memref<400x128xf32, #tpu.memory_space<vmem>>, %arg7: memref<400x128xf32, #tpu.memory_space<vmem>>) attributes {dimension_semantics = [#tpu.dimension_semantics<arbitrary>], iteration_bounds = array<i64: 25>, scalar_prefetch = 0 : i64, scratch_operands = 0 : i64, tpu.core_type = #tpu.core_type<tc>, window_params = [{transform_indices = @transform_0, window_bounds = array<i64: 400, 256>}, {pipeline_mode = #tpu.pipeline_mode<synchronous>, transform_indices = @transform_1, window_bounds = array<i64: 256, 256>}, {transform_indices = @transform_2, window_bounds = array<i64: 400, 1>}, {pipeline_mode = #tpu.pipeline_mode<synchronous>, transform_indices = @transform_3, window_bounds = array<i64: 1, 256>}, {pipeline_mode = #tpu.pipeline_mode<synchronous>, transform_indices = @transform_4, window_bounds = array<i64: 1, 1>}, {transform_indices = @transform_5, window_bounds = array<i64: 400, 128>}, {transform_indices = @transform_6, window_bounds = array<i64: 400, 128>}]} {
    %get3A = arith.constant 0 : index
    %get3A_0 = arith.constant 0 : index
    %get3A_1 = vector.load %arg1[%get3A, %get3A_0] : memref<400x256xf32, #tpu.memory_space<vmem>>, vector<400x256xf32>
    %get3A_2 = arith.constant 0 : index
    %get3A_3 = arith.constant 0 : index
    %get3A_4 = vector.load %arg5[%get3A_2, %get3A_3] : memref<1x1xf32, #tpu.memory_space<vmem>>, vector<1x1xf32>
    %get3A_5 = vector.extract %get3A_4[0, 0] : f32 from vector<1x1xf32>
    %ge3A = arith.constant 0.000000e+00 : f32
    %ge3A_6 = vector.broadcast %ge3A : f32 to vector<400x256xf32>
    %ge3A_7 = arith.cmpf oge, %get3A_1, %ge3A_6 : vector<400x256xf32>
    %mul3A = vector.broadcast %get3A_5 : f32 to vector<400x256xf32>
    %mul3A_8 = arith.mulf %mul3A, %get3A_1 : vector<400x256xf32>
    %select_n3A = arith.select %ge3A_7, %get3A_1, %mul3A_8 : vector<400x256xi1>, vector<400x256xf32>
    %get3A_9 = arith.constant 0 : index
    %get3A_10 = arith.constant 0 : index
    %get3A_11 = vector.load %arg2[%get3A_9, %get3A_10] : memref<256x256xf32, #tpu.memory_space<vmem>>, vector<256x256xf32>
    %dot_general3A = arith.constant dense<0.000000e+00> : vector<400x256xf32>
    %dot_general3A_12 = tpu.matmul %select_n3A, %get3A_11, %dot_general3A {dimension_numbers = #tpu.dot_dimension_numbers<[1], [0], [0], [1], [0, 0, 1, 1], [], []>, precision = #tpu.contract_precision<fp32>, transpose_lhs_hint = false} : vector<400x256xf32>, vector<256x256xf32>, vector<400x256xf32> -> vector<400x256xf32>
    %get3A_13 = arith.constant 0 : index
    %get3A_14 = arith.constant 0 : index
    %get3A_15 = vector.load %arg3[%get3A_13, %get3A_14] : memref<400x1xf32, #tpu.memory_space<vmem>>, vector<400x1xf32>
    %get3A_16 = arith.constant 0 : index
    %get3A_17 = arith.constant 0 : index
    %get3A_18 = vector.load %arg4[%get3A_16, %get3A_17] : memref<1x256xf32, #tpu.memory_space<vmem>>, vector<1x256xf32>
    %sub3A = vector.broadcast %get3A_18 : vector<1x256xf32> to vector<400x256xf32>
    %sub3A_19 = arith.subf %sub3A, %dot_general3A_12 : vector<400x256xf32>
    %mul3A_20 = vector.broadcast %get3A_15 : vector<400x1xf32> to vector<400x256xf32>
    %mul3A_21 = arith.mulf %mul3A_20, %sub3A_19 : vector<400x256xf32>
    %add3A = arith.addf %dot_general3A_12, %mul3A_21 : vector<400x256xf32>
    %slice3A = vector.extract_strided_slice %add3A {offsets = [0, 0], sizes = [400, 128], strides = [1, 1]} : vector<400x256xf32> to vector<400x128xf32>
    %swap3A = arith.constant 0 : index
    %swap3A_22 = arith.constant 0 : index
    %swap3A_23 = vector.load %arg6[%swap3A, %swap3A_22] : memref<400x128xf32, #tpu.memory_space<vmem>>, vector<400x128xf32>
    tpu.vector_store %arg6[%swap3A, %swap3A_22], %slice3A {strides = array<i32>} : memref<400x128xf32, #tpu.memory_space<vmem>>, vector<400x128xf32>,
    %slice3A_24 = vector.extract_strided_slice %add3A {offsets = [0, 128], sizes = [400, 128], strides = [1, 1]} : vector<400x256xf32> to vector<400x128xf32>
    %swap3A_25 = arith.constant 0 : index
    %swap3A_26 = arith.constant 0 : index
    %swap3A_27 = vector.load %arg7[%swap3A_25, %swap3A_26] : memref<400x128xf32, #tpu.memory_space<vmem>>, vector<400x128xf32>
    tpu.vector_store %arg7[%swap3A_25, %swap3A_26], %slice3A_24 {strides = array<i32>} : memref<400x128xf32, #tpu.memory_space<vmem>>, vector<400x128xf32>,
    return
  }
  func.func @transform_0(%arg0: i32) -> (i32, i32) {
    %c0_i32 = arith.constant 0 : i32
    %c0_i32_0 = arith.constant 0 : i32
    return %arg0, %c0_i32 : i32, i32
  }
  func.func @transform_1(%arg0: i32) -> (i32, i32) {
    %c0_i32 = arith.constant 0 : i32
    %c0_i32_0 = arith.constant 0 : i32
    %c0_i32_1 = arith.constant 0 : i32
    return %c0_i32, %c0_i32_0 : i32, i32
  }
  func.func @transform_2(%arg0: i32) -> (i32, i32) {
    %c0_i32 = arith.constant 0 : i32
    %c0_i32_0 = arith.constant 0 : i32
    return %arg0, %c0_i32 : i32, i32
  }
  func.func @transform_3(%arg0: i32) -> (i32, i32) {
    %c0_i32 = arith.constant 0 : i32
    %c0_i32_0 = arith.constant 0 : i32
    %c0_i32_1 = arith.constant 0 : i32
    return %c0_i32, %c0_i32_0 : i32, i32
  }
  func.func @transform_4(%arg0: i32) -> (i32, i32) {
    %c0_i32 = arith.constant 0 : i32
    %c0_i32_0 = arith.constant 0 : i32
    %c0_i32_1 = arith.constant 0 : i32
    return %c0_i32, %c0_i32_0 : i32, i32
  }
  func.func @transform_5(%arg0: i32) -> (i32, i32) {
    %c0_i32 = arith.constant 0 : i32
    %c0_i32_0 = arith.constant 0 : i32
    return %arg0, %c0_i32 : i32, i32
  }
  func.func @transform_6(%arg0: i32) -> (i32, i32) {
    %c0_i32 = arith.constant 0 : i32
    %c0_i32_0 = arith.constant 0 : i32
    return %arg0, %c0_i32 : i32, i32
  }
}

module attributes {stable_mosaic.version = 14 : i64} {
  func.func @body(%arg0: i32, %arg1: memref<400x128xf32, #tpu.memory_space<vmem>>, %arg2: memref<400x128xf32, #tpu.memory_space<vmem>>, %arg3: memref<400x128xf32, #tpu.memory_space<vmem>>, %arg4: memref<400x128xf32, #tpu.memory_space<vmem>>, %arg5: memref<128x256xf32, #tpu.memory_space<vmem>>, %arg6: memref<256x512xf32, #tpu.memory_space<vmem>>, %arg7: memref<1x512xf32, #tpu.memory_space<vmem>>, %arg8: memref<512x256xf32, #tpu.memory_space<vmem>>, %arg9: memref<1x256xf32, #tpu.memory_space<vmem>>, %arg10: memref<400x256xf32, #tpu.memory_space<vmem>>, %arg11: memref<2x256xf32, #tpu.memory_space<vmem>>) attributes {dimension_semantics = [#tpu.dimension_semantics<arbitrary>], iteration_bounds = array<i64: 25>, scalar_prefetch = 0 : i64, scratch_operands = 0 : i64, tpu.core_type = #tpu.core_type<tc>, window_params = [{transform_indices = @transform_0, window_bounds = array<i64: 400, 128>}, {transform_indices = @transform_1, window_bounds = array<i64: 400, 128>}, {transform_indices = @transform_2, window_bounds = array<i64: 400, 128>}, {transform_indices = @transform_3, window_bounds = array<i64: 400, 128>}, {pipeline_mode = #tpu.pipeline_mode<synchronous>, transform_indices = @transform_4, window_bounds = array<i64: 128, 256>}, {pipeline_mode = #tpu.pipeline_mode<synchronous>, transform_indices = @transform_5, window_bounds = array<i64: 256, 512>}, {pipeline_mode = #tpu.pipeline_mode<synchronous>, transform_indices = @transform_6, window_bounds = array<i64: 1, 512>}, {pipeline_mode = #tpu.pipeline_mode<synchronous>, transform_indices = @transform_7, window_bounds = array<i64: 512, 256>}, {pipeline_mode = #tpu.pipeline_mode<synchronous>, transform_indices = @transform_8, window_bounds = array<i64: 1, 256>}, {transform_indices = @transform_9, window_bounds = array<i64: 400, 256>}, {pipeline_mode = #tpu.pipeline_mode<synchronous>, transform_indices = @transform_10, window_bounds = array<i64: 2, 256>}]} {
    %get3A = arith.constant 0 : index
    %get3A_0 = arith.constant 0 : index
    %get3A_1 = vector.load %arg1[%get3A, %get3A_0] : memref<400x128xf32, #tpu.memory_space<vmem>>, vector<400x128xf32>
    %get3A_2 = arith.constant 0 : index
    %get3A_3 = arith.constant 0 : index
    %get3A_4 = vector.load %arg2[%get3A_2, %get3A_3] : memref<400x128xf32, #tpu.memory_space<vmem>>, vector<400x128xf32>
    %concatenate3A = tpu.concatenate %get3A_1, %get3A_4 in 1 : vector<400x128xf32>, vector<400x128xf32> -> vector<400x256xf32>
    %get3A_5 = arith.constant 0 : index
    %get3A_6 = arith.constant 0 : index
    %get3A_7 = vector.load %arg3[%get3A_5, %get3A_6] : memref<400x128xf32, #tpu.memory_space<vmem>>, vector<400x128xf32>
    %get3A_8 = arith.constant 0 : index
    %get3A_9 = arith.constant 0 : index
    %get3A_10 = vector.load %arg4[%get3A_8, %get3A_9] : memref<400x128xf32, #tpu.memory_space<vmem>>, vector<400x128xf32>
    %add3A = arith.addf %get3A_7, %get3A_10 : vector<400x128xf32>
    %get3A_11 = arith.constant 0 : index
    %get3A_12 = arith.constant 0 : index
    %get3A_13 = vector.load %arg5[%get3A_11, %get3A_12] : memref<128x256xf32, #tpu.memory_space<vmem>>, vector<128x256xf32>
    %dot_general3A = arith.constant dense<0.000000e+00> : vector<400x256xf32>
    %dot_general3A_14 = tpu.matmul %add3A, %get3A_13, %dot_general3A {dimension_numbers = #tpu.dot_dimension_numbers<[1], [0], [0], [1], [0, 0, 1, 1], [], []>, precision = #tpu.contract_precision<fp32>, transpose_lhs_hint = false} : vector<400x128xf32>, vector<128x256xf32>, vector<400x256xf32> -> vector<400x256xf32>
    %add3A_15 = arith.addf %concatenate3A, %dot_general3A_14 : vector<400x256xf32>
    %get3A_16 = arith.constant 0 : index
    %get3A_17 = arith.constant 0 : index
    %get3A_18 = vector.load %arg6[%get3A_16, %get3A_17] : memref<256x512xf32, #tpu.memory_space<vmem>>, vector<256x512xf32>
    %dot_general3A_19 = arith.constant dense<0.000000e+00> : vector<400x512xf32>
    %dot_general3A_20 = tpu.matmul %add3A_15, %get3A_18, %dot_general3A_19 {dimension_numbers = #tpu.dot_dimension_numbers<[1], [0], [0], [1], [0, 0, 1, 1], [], []>, precision = #tpu.contract_precision<fp32>, transpose_lhs_hint = false} : vector<400x256xf32>, vector<256x512xf32>, vector<400x512xf32> -> vector<400x512xf32>
    %get3A_21 = arith.constant 0 : index
    %get3A_22 = arith.constant 0 : index
    %get3A_23 = vector.load %arg7[%get3A_21, %get3A_22] : memref<1x512xf32, #tpu.memory_space<vmem>>, vector<1x512xf32>
    %add3A_24 = vector.broadcast %get3A_23 : vector<1x512xf32> to vector<400x512xf32>
    %add3A_25 = arith.addf %dot_general3A_20, %add3A_24 : vector<400x512xf32>
    %max3A = arith.constant 0.000000e+00 : f32
    %max3A_26 = vector.broadcast %max3A : f32 to vector<400x512xf32>
    %max3A_27 = arith.maximumf %add3A_25, %max3A_26 : vector<400x512xf32>
    %get3A_28 = arith.constant 0 : index
    %get3A_29 = arith.constant 0 : index
    %get3A_30 = vector.load %arg8[%get3A_28, %get3A_29] : memref<512x256xf32, #tpu.memory_space<vmem>>, vector<512x256xf32>
    %dot_general3A_31 = arith.constant dense<0.000000e+00> : vector<400x256xf32>
    %dot_general3A_32 = tpu.matmul %max3A_27, %get3A_30, %dot_general3A_31 {dimension_numbers = #tpu.dot_dimension_numbers<[1], [0], [0], [1], [0, 0, 1, 1], [], []>, precision = #tpu.contract_precision<fp32>, transpose_lhs_hint = false} : vector<400x512xf32>, vector<512x256xf32>, vector<400x256xf32> -> vector<400x256xf32>
    %get3A_33 = arith.constant 0 : index
    %get3A_34 = arith.constant 0 : index
    %get3A_35 = vector.load %arg9[%get3A_33, %get3A_34] : memref<1x256xf32, #tpu.memory_space<vmem>>, vector<1x256xf32>
    %add3A_36 = vector.broadcast %get3A_35 : vector<1x256xf32> to vector<400x256xf32>
    %add3A_37 = arith.addf %dot_general3A_32, %add3A_36 : vector<400x256xf32>
    %swap3A = arith.constant 0 : index
    %swap3A_38 = arith.constant 0 : index
    %swap3A_39 = vector.load %arg10[%swap3A, %swap3A_38] : memref<400x256xf32, #tpu.memory_space<vmem>>, vector<400x256xf32>
    tpu.vector_store %arg10[%swap3A, %swap3A_38], %add3A_37 {strides = array<i32>} : memref<400x256xf32, #tpu.memory_space<vmem>>, vector<400x256xf32>,
    %eq3A = arith.constant 0 : i32
    %eq3A_40 = arith.cmpi eq, %arg0, %eq3A : i32
    %convert_element_type3A = arith.extui %eq3A_40 : i1 to i32
    %cond3A = arith.constant 0 : i32
    %cond3A_41 = arith.cmpi ne, %convert_element_type3A, %cond3A : i32
    scf.if %cond3A_41 {
      %broadcast_in_dim3A_54 = arith.constant 0.000000e+00 : f32
      %broadcast_in_dim3A_55 = vector.broadcast %broadcast_in_dim3A_54 : f32 to vector<2x256xf32>
      %swap3A_56 = arith.constant 0 : index
      %swap3A_57 = arith.constant 0 : index
      %swap3A_58 = vector.load %arg11[%swap3A_56, %swap3A_57] : memref<2x256xf32, #tpu.memory_space<vmem>>, vector<2x256xf32>
      tpu.vector_store %arg11[%swap3A_56, %swap3A_57], %broadcast_in_dim3A_55 {strides = array<i32>} : memref<2x256xf32, #tpu.memory_space<vmem>>, vector<2x256xf32>,
    } else {
    }
    %get3A_42 = arith.constant 0 : index
    %get3A_43 = arith.constant 0 : index
    %get3A_44 = vector.load %arg11[%get3A_42, %get3A_43] : memref<2x256xf32, #tpu.memory_space<vmem>>, vector<2x256xf32>
    %reduce_sum3A = arith.constant dense<0.000000e+00> : vector<256xf32>
    %reduce_sum3A_45 = vector.multi_reduction <add>, %add3A_37, %reduce_sum3A [0] : vector<400x256xf32> to vector<256xf32>
    %broadcast_in_dim3A = vector.shape_cast %reduce_sum3A_45 : vector<256xf32> to vector<1x256xf32>
    %mul3A = arith.mulf %add3A_37, %add3A_37 : vector<400x256xf32>
    %reduce_sum3A_46 = arith.constant dense<0.000000e+00> : vector<256xf32>
    %reduce_sum3A_47 = vector.multi_reduction <add>, %mul3A, %reduce_sum3A_46 [0] : vector<400x256xf32> to vector<256xf32>
    %broadcast_in_dim3A_48 = vector.shape_cast %reduce_sum3A_47 : vector<256xf32> to vector<1x256xf32>
    %concatenate3A_49 = tpu.concatenate %broadcast_in_dim3A, %broadcast_in_dim3A_48 in 0 : vector<1x256xf32>, vector<1x256xf32> -> vector<2x256xf32>
    %add3A_50 = arith.addf %get3A_44, %concatenate3A_49 : vector<2x256xf32>
    %swap3A_51 = arith.constant 0 : index
    %swap3A_52 = arith.constant 0 : index
    %swap3A_53 = vector.load %arg11[%swap3A_51, %swap3A_52] : memref<2x256xf32, #tpu.memory_space<vmem>>, vector<2x256xf32>
    tpu.vector_store %arg11[%swap3A_51, %swap3A_52], %add3A_50 {strides = array<i32>} : memref<2x256xf32, #tpu.memory_space<vmem>>, vector<2x256xf32>,
    return
  }
  func.func @transform_0(%arg0: i32) -> (i32, i32) {
    %c0_i32 = arith.constant 0 : i32
    %c0_i32_0 = arith.constant 0 : i32
    return %arg0, %c0_i32 : i32, i32
  }
  func.func @transform_1(%arg0: i32) -> (i32, i32) {
    %c0_i32 = arith.constant 0 : i32
    %c0_i32_0 = arith.constant 0 : i32
    return %arg0, %c0_i32 : i32, i32
  }
  func.func @transform_2(%arg0: i32) -> (i32, i32) {
    %c0_i32 = arith.constant 0 : i32
    %c0_i32_0 = arith.constant 0 : i32
    return %arg0, %c0_i32 : i32, i32
  }
  func.func @transform_3(%arg0: i32) -> (i32, i32) {
    %c0_i32 = arith.constant 0 : i32
    %c0_i32_0 = arith.constant 0 : i32
    return %arg0, %c0_i32 : i32, i32
  }
  func.func @transform_4(%arg0: i32) -> (i32, i32) {
    %c0_i32 = arith.constant 0 : i32
    %c0_i32_0 = arith.constant 0 : i32
    %c0_i32_1 = arith.constant 0 : i32
    return %c0_i32, %c0_i32_0 : i32, i32
  }
  func.func @transform_5(%arg0: i32) -> (i32, i32) {
    %c0_i32 = arith.constant 0 : i32
    %c0_i32_0 = arith.constant 0 : i32
    %c0_i32_1 = arith.constant 0 : i32
    return %c0_i32, %c0_i32_0 : i32, i32
  }
  func.func @transform_6(%arg0: i32) -> (i32, i32) {
    %c0_i32 = arith.constant 0 : i32
    %c0_i32_0 = arith.constant 0 : i32
    %c0_i32_1 = arith.constant 0 : i32
    return %c0_i32, %c0_i32_0 : i32, i32
  }
  func.func @transform_7(%arg0: i32) -> (i32, i32) {
    %c0_i32 = arith.constant 0 : i32
    %c0_i32_0 = arith.constant 0 : i32
    %c0_i32_1 = arith.constant 0 : i32
    return %c0_i32, %c0_i32_0 : i32, i32
  }
  func.func @transform_8(%arg0: i32) -> (i32, i32) {
    %c0_i32 = arith.constant 0 : i32
    %c0_i32_0 = arith.constant 0 : i32
    %c0_i32_1 = arith.constant 0 : i32
    return %c0_i32, %c0_i32_0 : i32, i32
  }
  func.func @transform_9(%arg0: i32) -> (i32, i32) {
    %c0_i32 = arith.constant 0 : i32
    %c0_i32_0 = arith.constant 0 : i32
    return %arg0, %c0_i32 : i32, i32
  }
  func.func @transform_10(%arg0: i32) -> (i32, i32) {
    %c0_i32 = arith.constant 0 : i32
    %c0_i32_0 = arith.constant 0 : i32
    %c0_i32_1 = arith.constant 0 : i32
    return %c0_i32, %c0_i32_0 : i32, i32
  }
}

module attributes {stable_mosaic.version = 14 : i64} {
  func.func @body(%arg0: i32, %arg1: memref<400x256xf32, #tpu.memory_space<vmem>>, %arg2: memref<2x256xf32, #tpu.memory_space<vmem>>, %arg3: memref<1x256xf32, #tpu.memory_space<vmem>>, %arg4: memref<1x256xf32, #tpu.memory_space<vmem>>, %arg5: memref<400x128xf32, #tpu.memory_space<vmem>>, %arg6: memref<400x128xf32, #tpu.memory_space<vmem>>) attributes {dimension_semantics = [#tpu.dimension_semantics<arbitrary>], iteration_bounds = array<i64: 25>, scalar_prefetch = 0 : i64, scratch_operands = 0 : i64, tpu.core_type = #tpu.core_type<tc>, window_params = [{transform_indices = @transform_0, window_bounds = array<i64: 400, 256>}, {pipeline_mode = #tpu.pipeline_mode<synchronous>, transform_indices = @transform_1, window_bounds = array<i64: 2, 256>}, {pipeline_mode = #tpu.pipeline_mode<synchronous>, transform_indices = @transform_2, window_bounds = array<i64: 1, 256>}, {pipeline_mode = #tpu.pipeline_mode<synchronous>, transform_indices = @transform_3, window_bounds = array<i64: 1, 256>}, {transform_indices = @transform_4, window_bounds = array<i64: 400, 128>}, {transform_indices = @transform_5, window_bounds = array<i64: 400, 128>}]} {
    %get3A = arith.constant 0 : index
    %get3A_0 = arith.constant 0 : index
    %get3A_1 = vector.load %arg2[%get3A, %get3A_0] : memref<2x256xf32, #tpu.memory_space<vmem>>, vector<1x256xf32>
    %mul3A = arith.constant 9.99999974E-5 : f32
    %mul3A_2 = vector.broadcast %mul3A : f32 to vector<1x256xf32>
    %mul3A_3 = arith.mulf %get3A_1, %mul3A_2 : vector<1x256xf32>
    %get3A_4 = arith.constant 1 : index
    %get3A_5 = arith.constant 0 : index
    %get3A_6 = vector.load %arg2[%get3A_4, %get3A_5] : memref<2x256xf32, #tpu.memory_space<vmem>>, vector<1x256xf32>
    %mul3A_7 = arith.constant 9.99999974E-5 : f32
    %mul3A_8 = vector.broadcast %mul3A_7 : f32 to vector<1x256xf32>
    %mul3A_9 = arith.mulf %get3A_6, %mul3A_8 : vector<1x256xf32>
    %mul3A_10 = arith.mulf %mul3A_3, %mul3A_3 : vector<1x256xf32>
    %sub3A = arith.subf %mul3A_9, %mul3A_10 : vector<1x256xf32>
    %get3A_11 = arith.constant 0 : index
    %get3A_12 = arith.constant 0 : index
    %get3A_13 = vector.load %arg3[%get3A_11, %get3A_12] : memref<1x256xf32, #tpu.memory_space<vmem>>, vector<1x256xf32>
    %add3A = arith.constant 9.99999974E-6 : f32
    %add3A_14 = vector.broadcast %add3A : f32 to vector<1x256xf32>
    %add3A_15 = arith.addf %sub3A, %add3A_14 : vector<1x256xf32>
    %rsqrt3A = math.rsqrt %add3A_15 : vector<1x256xf32>
    %mul3A_16 = arith.mulf %get3A_13, %rsqrt3A : vector<1x256xf32>
    %get3A_17 = arith.constant 0 : index
    %get3A_18 = arith.constant 0 : index
    %get3A_19 = vector.load %arg1[%get3A_17, %get3A_18] : memref<400x256xf32, #tpu.memory_space<vmem>>, vector<400x256xf32>
    %sub3A_20 = vector.broadcast %mul3A_3 : vector<1x256xf32> to vector<400x256xf32>
    %sub3A_21 = arith.subf %get3A_19, %sub3A_20 : vector<400x256xf32>
    %mul3A_22 = vector.broadcast %mul3A_16 : vector<1x256xf32> to vector<400x256xf32>
    %mul3A_23 = arith.mulf %sub3A_21, %mul3A_22 : vector<400x256xf32>
    %get3A_24 = arith.constant 0 : index
    %get3A_25 = arith.constant 0 : index
    %get3A_26 = vector.load %arg4[%get3A_24, %get3A_25] : memref<1x256xf32, #tpu.memory_space<vmem>>, vector<1x256xf32>
    %add3A_27 = vector.broadcast %get3A_26 : vector<1x256xf32> to vector<400x256xf32>
    %add3A_28 = arith.addf %mul3A_23, %add3A_27 : vector<400x256xf32>
    %max3A = arith.constant 0.000000e+00 : f32
    %max3A_29 = vector.broadcast %max3A : f32 to vector<400x256xf32>
    %max3A_30 = arith.maximumf %add3A_28, %max3A_29 : vector<400x256xf32>
    %slice3A = vector.extract_strided_slice %max3A_30 {offsets = [0, 0], sizes = [400, 128], strides = [1, 1]} : vector<400x256xf32> to vector<400x128xf32>
    %swap3A = arith.constant 0 : index
    %swap3A_31 = arith.constant 0 : index
    %swap3A_32 = vector.load %arg5[%swap3A, %swap3A_31] : memref<400x128xf32, #tpu.memory_space<vmem>>, vector<400x128xf32>
    tpu.vector_store %arg5[%swap3A, %swap3A_31], %slice3A {strides = array<i32>} : memref<400x128xf32, #tpu.memory_space<vmem>>, vector<400x128xf32>,
    %slice3A_33 = vector.extract_strided_slice %max3A_30 {offsets = [0, 128], sizes = [400, 128], strides = [1, 1]} : vector<400x256xf32> to vector<400x128xf32>
    %swap3A_34 = arith.constant 0 : index
    %swap3A_35 = arith.constant 0 : index
    %swap3A_36 = vector.load %arg6[%swap3A_34, %swap3A_35] : memref<400x128xf32, #tpu.memory_space<vmem>>, vector<400x128xf32>
    tpu.vector_store %arg6[%swap3A_34, %swap3A_35], %slice3A_33 {strides = array<i32>} : memref<400x128xf32, #tpu.memory_space<vmem>>, vector<400x128xf32>,
    return
  }
  func.func @transform_0(%arg0: i32) -> (i32, i32) {
    %c0_i32 = arith.constant 0 : i32
    %c0_i32_0 = arith.constant 0 : i32
    return %arg0, %c0_i32 : i32, i32
  }
  func.func @transform_1(%arg0: i32) -> (i32, i32) {
    %c0_i32 = arith.constant 0 : i32
    %c0_i32_0 = arith.constant 0 : i32
    %c0_i32_1 = arith.constant 0 : i32
    return %c0_i32, %c0_i32_0 : i32, i32
  }
  func.func @transform_2(%arg0: i32) -> (i32, i32) {
    %c0_i32 = arith.constant 0 : i32
    %c0_i32_0 = arith.constant 0 : i32
    %c0_i32_1 = arith.constant 0 : i32
    return %c0_i32, %c0_i32_0 : i32, i32
  }
  func.func @transform_3(%arg0: i32) -> (i32, i32) {
    %c0_i32 = arith.constant 0 : i32
    %c0_i32_0 = arith.constant 0 : i32
    %c0_i32_1 = arith.constant 0 : i32
    return %c0_i32, %c0_i32_0 : i32, i32
  }
  func.func @transform_4(%arg0: i32) -> (i32, i32) {
    %c0_i32 = arith.constant 0 : i32
    %c0_i32_0 = arith.constant 0 : i32
    return %arg0, %c0_i32 : i32, i32
  }
  func.func @transform_5(%arg0: i32) -> (i32, i32) {
    %c0_i32 = arith.constant 0 : i32
    %c0_i32_0 = arith.constant 0 : i32
    return %arg0, %c0_i32 : i32, i32
  }
}

module attributes {stable_mosaic.version = 14 : i64} {
  func.func @body(%arg0: i32, %arg1: memref<400x256xf32, #tpu.memory_space<vmem>>, %arg2: memref<2x256xf32, #tpu.memory_space<vmem>>, %arg3: memref<1x256xf32, #tpu.memory_space<vmem>>, %arg4: memref<1x256xf32, #tpu.memory_space<vmem>>, %arg5: memref<400x256xf32, #tpu.memory_space<vmem>>) attributes {dimension_semantics = [#tpu.dimension_semantics<arbitrary>], iteration_bounds = array<i64: 25>, scalar_prefetch = 0 : i64, scratch_operands = 0 : i64, tpu.core_type = #tpu.core_type<tc>, window_params = [{transform_indices = @transform_0, window_bounds = array<i64: 400, 256>}, {pipeline_mode = #tpu.pipeline_mode<synchronous>, transform_indices = @transform_1, window_bounds = array<i64: 2, 256>}, {pipeline_mode = #tpu.pipeline_mode<synchronous>, transform_indices = @transform_2, window_bounds = array<i64: 1, 256>}, {pipeline_mode = #tpu.pipeline_mode<synchronous>, transform_indices = @transform_3, window_bounds = array<i64: 1, 256>}, {transform_indices = @transform_4, window_bounds = array<i64: 400, 256>}]} {
    %get3A = arith.constant 0 : index
    %get3A_0 = arith.constant 0 : index
    %get3A_1 = vector.load %arg2[%get3A, %get3A_0] : memref<2x256xf32, #tpu.memory_space<vmem>>, vector<1x256xf32>
    %mul3A = arith.constant 9.99999974E-5 : f32
    %mul3A_2 = vector.broadcast %mul3A : f32 to vector<1x256xf32>
    %mul3A_3 = arith.mulf %get3A_1, %mul3A_2 : vector<1x256xf32>
    %get3A_4 = arith.constant 1 : index
    %get3A_5 = arith.constant 0 : index
    %get3A_6 = vector.load %arg2[%get3A_4, %get3A_5] : memref<2x256xf32, #tpu.memory_space<vmem>>, vector<1x256xf32>
    %mul3A_7 = arith.constant 9.99999974E-5 : f32
    %mul3A_8 = vector.broadcast %mul3A_7 : f32 to vector<1x256xf32>
    %mul3A_9 = arith.mulf %get3A_6, %mul3A_8 : vector<1x256xf32>
    %mul3A_10 = arith.mulf %mul3A_3, %mul3A_3 : vector<1x256xf32>
    %sub3A = arith.subf %mul3A_9, %mul3A_10 : vector<1x256xf32>
    %get3A_11 = arith.constant 0 : index
    %get3A_12 = arith.constant 0 : index
    %get3A_13 = vector.load %arg3[%get3A_11, %get3A_12] : memref<1x256xf32, #tpu.memory_space<vmem>>, vector<1x256xf32>
    %add3A = arith.constant 9.99999974E-6 : f32
    %add3A_14 = vector.broadcast %add3A : f32 to vector<1x256xf32>
    %add3A_15 = arith.addf %sub3A, %add3A_14 : vector<1x256xf32>
    %rsqrt3A = math.rsqrt %add3A_15 : vector<1x256xf32>
    %mul3A_16 = arith.mulf %get3A_13, %rsqrt3A : vector<1x256xf32>
    %get3A_17 = arith.constant 0 : index
    %get3A_18 = arith.constant 0 : index
    %get3A_19 = vector.load %arg1[%get3A_17, %get3A_18] : memref<400x256xf32, #tpu.memory_space<vmem>>, vector<400x256xf32>
    %sub3A_20 = vector.broadcast %mul3A_3 : vector<1x256xf32> to vector<400x256xf32>
    %sub3A_21 = arith.subf %get3A_19, %sub3A_20 : vector<400x256xf32>
    %mul3A_22 = vector.broadcast %mul3A_16 : vector<1x256xf32> to vector<400x256xf32>
    %mul3A_23 = arith.mulf %sub3A_21, %mul3A_22 : vector<400x256xf32>
    %get3A_24 = arith.constant 0 : index
    %get3A_25 = arith.constant 0 : index
    %get3A_26 = vector.load %arg4[%get3A_24, %get3A_25] : memref<1x256xf32, #tpu.memory_space<vmem>>, vector<1x256xf32>
    %add3A_27 = vector.broadcast %get3A_26 : vector<1x256xf32> to vector<400x256xf32>
    %add3A_28 = arith.addf %mul3A_23, %add3A_27 : vector<400x256xf32>
    %swap3A = arith.constant 0 : index
    %swap3A_29 = arith.constant 0 : index
    %swap3A_30 = vector.load %arg5[%swap3A, %swap3A_29] : memref<400x256xf32, #tpu.memory_space<vmem>>, vector<400x256xf32>
    tpu.vector_store %arg5[%swap3A, %swap3A_29], %add3A_28 {strides = array<i32>} : memref<400x256xf32, #tpu.memory_space<vmem>>, vector<400x256xf32>,
    return
  }
  func.func @transform_0(%arg0: i32) -> (i32, i32) {
    %c0_i32 = arith.constant 0 : i32
    %c0_i32_0 = arith.constant 0 : i32
    return %arg0, %c0_i32 : i32, i32
  }
  func.func @transform_1(%arg0: i32) -> (i32, i32) {
    %c0_i32 = arith.constant 0 : i32
    %c0_i32_0 = arith.constant 0 : i32
    %c0_i32_1 = arith.constant 0 : i32
    return %c0_i32, %c0_i32_0 : i32, i32
  }
  func.func @transform_2(%arg0: i32) -> (i32, i32) {
    %c0_i32 = arith.constant 0 : i32
    %c0_i32_0 = arith.constant 0 : i32
    %c0_i32_1 = arith.constant 0 : i32
    return %c0_i32, %c0_i32_0 : i32, i32
  }
  func.func @transform_3(%arg0: i32) -> (i32, i32) {
    %c0_i32 = arith.constant 0 : i32
    %c0_i32_0 = arith.constant 0 : i32
    %c0_i32_1 = arith.constant 0 : i32
    return %c0_i32, %c0_i32_0 : i32, i32
  }
  func.func @transform_4(%arg0: i32) -> (i32, i32) {
    %c0_i32 = arith.constant 0 : i32
    %c0_i32_0 = arith.constant 0 : i32
    return %arg0, %c0_i32 : i32, i32
  }
}

</mosaic_0001>

<sc_bundles>
// kernel: kernel.10.cloned.1.call-start
scs
__scs_entry_jumppad:
0x0: {  	(pc) =	sbr.rel $0x88, $3  }
0x1: {  	(tag) =	ssettag $0x0;
	lr =	simm.s32 $0x1  }
0x2: {  	[smem:$0x3F8A] =	sst lr;
	_ =	strace $0xD0000000  }
0x3: {  	_ = 	snop  }
0x4: {  	_ = 	snop  }
0x5: {  	_ = 	snop  }
0x6: {  	_ = 	snop  }
0x7: {  	_ = 	snop  }
__scs_overlays_trampoline_lowered:
0x8: {  	[smem:$0x3F99] =	sst s0  }
0x9: {  	[smem:$0x3F9A] =	sst s1  }
0xa: {  	[smem:$0x3F9B] =	sst s2  }
0xb: {  	[smem:$0x3F9C] =	sst s3  }
0xc: {  	[smem:$0x3F9D] =	sst s4  }
0xd: {  	[smem:$0x3F9E] =	sst s5  }
0xe: {  	[smem:$0x3F9F] =	sst s6  }
0xf: {  	[smem:$0x3FA0] =	sst s7  }
0x10: {  	[smem:$0x3FA1] =	sst s8  }
0x11: {  	[smem:$0x3FA2] =	sst s9;
	s0 =	simm.s32 @!p0 $0x0  }
0x12: {  	s1 =	sld [smem:$0x3F88];
	s0 =	simm.s32 @p0 $0x1  }
0x13: {  	[smem:$0x3FA3] =	sst s0;
	s0 =	simm.s32 @!p1 $0x0  }
0x14: {  	s2 =	sld [smem:$0x3F87];
	s0 =	simm.s32 @p1 $0x1  }
0x15: {  	[smem:$0x3FA4] =	sst s0;
	s0 =	simm.s32 @!p2 $0x0  }
0x16: {  	s3 =	sld [smem:$0x3FDB];
	s0 =	simm.s32 @p2 $0x1  }
0x17: {  	s4 =	simm.s32 $0x1BF5;
	[smem:$0x3FA6] =	sst s0  }
0x18: {  	s0 =	sld [smem:$0x3F89];
	_ =	swait.ge [sflag:s4], $0x0  }
0x19: {  	s7 =	sld [smem:$0x3F8A]  }
0x1a: {  	s8 =	sadd.s32 $0xFFFFE003, lr  }
0x1b: {  	s9 =	sadd.s32 $0xFFFFFEF7, lr;
	s5 =	simm.s32 $0xFFFFFFFF;
	p2 =	slt.u32 s8, $0xFFFFF086  }
0x1c: {  	p1 =	slt.u32 s9, $0xF7A;
	s5 =	simm.s32 @!p2 $0x0  }
0x1d: {  	s5 =	simm.s32 @p1 $0x1;
	p0 =	seq.s32 s7, s2  }
0x1e: {  	s7 =	smul.u32 @!p0 $0xF7A, s2;
	p2 =	seq.s32 @!p0 s5, $0x0  }
0x1f: {  	s9 =	smul.u32 $0xF7A, s1;
	s8 =	simm.s32 @!p0 $0x1BF5;
	p2 =	por !p2, p0  }
0x20: {  	[sflag:s8] =	ssyncset.s32 @!p0 $0xFFFFF086;
	s6 =	sadd.s32 @!p0 s3, s7;
	s7 =	simm.s32 @!p0 $0x108  }
0x21: {  	s3 =	sadd.s32 s3, s9;
	s6 =	sadd.s32 @!p0 $0x88, s6;
	s7 =	simm.s32 @p2 $0x1082  }
0x22: {  	[simem:s7], [sflag:s8] =	dma.local @!p0 [hbm:s6], $0xF7A  }
0x23: {  	s9 =	sor.u32 $0xD0000000, s2;
	s6 =	simm.s32 $0x108;
	_ =	swait.ge @!p0 [sflag:s8], $0x0  }
0x24: {  	s3 =	sadd.s32 $0x88, s3;
	s6 =	simm.s32 @!p1 $0x1082;
	[sflag:s4] =	ssyncset.s32 $0xFFFFF086  }
0x25: {  	[simem:s6], [sflag:s4] =	dma.local [hbm:s3], $0xF7A  }
0x26: {  	[smem:$0x3F8A] =	sst s1;
	(tag) =	ssettag s2;
	_ =	strace s9  }
0x27: {  	s1 =	sld [smem:$0x3F9A]  }
0x28: {  	s2 =	sld [smem:$0x3F9B]  }
0x29: {  	s4 =	sld [smem:$0x3F9D]  }
0x2a: {  	p0 =	seq.s32 s5, $0x0;
	s5 =	sld [smem:$0x3F9E]  }
0x2b: {  	s6 =	sld [smem:$0x3F9F]  }
0x2c: {  	s7 =	sld [smem:$0x3FA0]  }
0x2d: {  	s3 =	simm.s32 $0x108;
	s8 =	sld [smem:$0x3FA1]  }
0x2e: {  	s3 =	simm.s32 @!p0 $0x1082;
	s9 =	sld [smem:$0x3FA2]  }
0x2f: {  	lr =	sadd.s32 s0, s3;
	s0 =	sld [smem:$0x3F99]  }
0x30: {  	s3 =	sld [smem:$0x3F9C]  }
0x31: {  	[smem:$0x3FA5] =	sst s10  }
0x32: {  	s10 =	sld [smem:$0x3FA3];
	_ =	sdelay $0x3  }
0x33: {  	p0 =	seq.s32 s10, $0x1;
	s10 =	sld [smem:$0x3FA5];
	_ =	sdelay $0x3  }
0x34: {  	[smem:$0x3FA5] =	sst s10  }
0x35: {  	s10 =	sld [smem:$0x3FA4];
	_ =	sdelay $0x3  }
0x36: {  	p1 =	seq.s32 s10, $0x1;
	s10 =	sld [smem:$0x3FA5];
	_ =	sdelay $0x3  }
0x37: {  	[smem:$0x3FA5] =	sst s10  }
0x38: {  	s10 =	sld [smem:$0x3FA6]  }
0x39: {  	_ = 	snop;
	(pc) =	sbr.ind lr, $3  }
0x3a: {  	_ = 	snop  }
0x3b: {  	_ = 	snop  }
0x3c: {  	p2 =	seq.s32 s10, $0x1;
	s10 =	sld [smem:$0x3FA5]  }
0x3d: {  	_ =	shalt  }
0x3e: {  	_ =	shalt  }
0x3f: {  	_ =	shalt  }
0x40: {  	_ =	shalt  }
0x41: {  	_ =	shalt  }
0x42: {  	_ =	shalt  }
0x43: {  	_ =	shalt  }
0x44: {  	_ =	shalt  }
0x45: {  	_ =	shalt  }
0x46: {  	_ =	shalt  }
0x47: {  	_ =	shalt  }
0x48: {  	_ =	shalt  }
0x49: {  	_ =	shalt  }
0x4a: {  	_ =	shalt  }
0x4b: {  	_ =	shalt  }
0x4c: {  	_ =	shalt  }
0x4d: {  	_ =	shalt  }
0x4e: {  	_ =	shalt  }
0x4f: {  	_ =	shalt  }
0x50: {  	_ =	shalt  }
0x51: {  	_ =	shalt  }
0x52: {  	_ =	shalt  }
0x53: {  	_ =	shalt  }
0x54: {  	_ =	shalt  }
0x55: {  	_ =	shalt  }
0x56: {  	_ =	shalt  }
0x57: {  	_ =	shalt  }
0x58: {  	_ =	shalt  }
0x59: {  	_ =	shalt  }
0x5a: {  	_ =	shalt  }
0x5b: {  	_ =	shalt  }
0x5c: {  	_ =	shalt  }
0x5d: {  	_ =	shalt  }
0x5e: {  	_ =	shalt  }
0x5f: {  	_ =	shalt  }
0x60: {  	_ =	shalt  }
0x61: {  	_ =	shalt  }
0x62: {  	_ =	shalt  }
0x63: {  	_ =	shalt  }
0x64: {  	_ =	shalt  }
0x65: {  	_ =	shalt  }
0x66: {  	_ =	shalt  }
0x67: {  	_ =	shalt  }
0x68: {  	_ =	shalt  }
0x69: {  	_ =	shalt  }
0x6a: {  	_ =	shalt  }
0x6b: {  	_ =	shalt  }
0x6c: {  	_ =	shalt  }
0x6d: {  	_ =	shalt  }
0x6e: {  	_ =	shalt  }
0x6f: {  	_ =	shalt  }
0x70: {  	_ =	shalt  }
0x71: {  	_ =	shalt  }
0x72: {  	_ =	shalt  }
0x73: {  	_ =	shalt  }
0x74: {  	_ =	shalt  }
0x75: {  	_ =	shalt  }
0x76: {  	_ =	shalt  }
0x77: {  	_ =	shalt  }
0x78: {  	_ =	shalt  }
0x79: {  	_ =	shalt  }
0x7a: {  	_ =	shalt  }
0x7b: {  	_ =	shalt  }
0x7c: {  	_ =	shalt  }
0x7d: {  	_ =	shalt  }
0x7e: {  	_ =	shalt  }
0x7f: {  	_ =	shalt  }
0x80: {  	_ =	shalt  }
0x81: {  	_ =	shalt  }
0x82: {  	_ =	shalt  }
0x83: {  	_ =	shalt  }
0x84: {  	_ =	shalt  }
0x85: {  	_ =	shalt  }
0x86: {  	_ =	shalt  }
0x87: {  	_ =	shalt  }
.Lfunc_end0:
.L_simem_size_0:
called_computation_lowered:
.L_overlay_start_0:
0x88: {  	s2 =	sld [smem:$0x3FD9]  }
0x89: {  	s3 =	sld [smem:$0x3FFE];
	_ =	sdelay $0x1  }
0x8a: {  	s1 =	srdreg.scid  }
0x8b: {  	s0 =	sand.u32 $0x1, s1  }
0x8c: {  	s17 =	sshll.u32 s0, $0xA;
	s2 =	sadd.s32 s3, s2  }
0x8d: {  	s2 =	sadd.s32 s2, s17  }
0x8e: {  	[smem:$0x3FB1] =	sst s2  }
0x8f: {  	_ = 	snop  }
0x90: {  	s18 =	sld [smem:$0x3FD0];
	(tm) =	ssettm $0x1  }
0x91: {  	s19 =	sld [smem:$0x3FFB];
	_ =	sdelay $0x3  }
0x92: {  	_ =	strace s19  }
0x93: {  	s2 =	sld [smem:$0x3FFC];
	_ =	sdelay $0x3  }
0x94: {  	_ =	strace s2  }
0x95: {  	s2 =	sld [smem:$0x3FFD];
	_ =	sdelay $0x3  }
0x96: {  	_ =	strace s2  }
0x97: {  	_ =	strace $0x8FFFFFFF  }
0x98: {  	s20 =	sld [smem:$0x3FDB];
	_ =	sdelay $0x1  }
0x99: {  	s4 =	simm.s32 $_scs_section_size  }
0x9a: {  	s5 =	simm.s32 $_size__tile_overlayer_lowered;
	s6 =	simm.s32 $_tile_overlayer_lowered  }
0x9b: {  	s7 =	simm.s32 $0x1BFF;
	s21 =	sshll.u32 s6, $0x1;
	s4 =	sadd.s32 s4, s20  }
0x9c: {  	s22 =	simm.s32 $0x0;
	s5 =	sshll.u32 s5, $0x1;
	s6 =	sadd.s32 s21, s4  }
0x9d: {  	[timem:s22], [sflag:s7] =	dma.local [hbm:s6], s5  }
0x9e: {  	_ =	swait.ge [sflag:s7], s5  }
0x9f: {  	s5 =	ssub.s32 $0x0, s5;
	[sflag:s7] =	ssyncset.done $0x0  }
0xa0: {  	[sflag:s7] =	ssyncadd.s32 s5;
	_ =	sdelay $0x1  }
0xa1: {  	s23 =	simm.s32 $0x1B8B  }
0xa2: {  	_ =	swait.ge [sflag:s23], $0x1  }
0xa3: {  	[sflag:s23] =	ssyncset.done $0x0  }
0xa4: {  	[sflag:s23] =	ssyncadd.s32 $0xFFFFFFFF  }
0xa5: {  	s5 =	sld [smem:$0x0]  }
0xa6: {  	s6 =	sand.u32 $0xFFFFFFFE, s1  }
0xa7: {  	p0 =	sne.s32 s1, s6  }
0xa8: {  	s6 =	sshll.u32 @p0 s6, $0xE  }
0xa9: {  	s6 =	sadd.s32 @p0 $0x11B8D, s6;
	s7 =	sshll.u32 @p0 s5, $0x11  }
0xaa: {  	s6 =	sor.u32 @p0 s7, s6  }
0xab: {  	[sflag:s6] =	ssyncadd.remote.s32 @p0 $0x1;
	_ =	sdelay $0x1  }
0xac: {  	s6 =	simm.s32 @p0 $0x1B8D  }
0xad: {  	_ =	swait.eq @p0 [sflag:s6], $0x1  }
0xae: {  	[sflag:s6] =	ssyncadd.s32 @p0 $0xFFFFFFFF  }
0xaf: {  	s7 =	sshll.u32 @!p0 s1, $0xE  }
0xb0: {  	s7 =	sor.u32 @!p0 $0x4000, s7;
	s6 =	simm.s32 @!p0 $0x1B8D  }
0xb1: {  	s5 =	sshll.u32 @!p0 s5, $0x11;
	s7 =	sadd.s32 @!p0 $0x11B8D, s7;
	_ =	swait.eq @!p0 [sflag:s6], $0x1  }
0xb2: {  	s5 =	sor.u32 @!p0 s5, s7;
	[sflag:s6] =	ssyncadd.s32 @!p0 $0xFFFFFFFF  }
0xb3: {  	s25 =	simm.s32 $0x1B8E;
	s24 =	sld [smem:$0x3FFE];
	[sflag:s5] =	ssyncadd.remote.s32 @!p0 $0x1  }
0xb4: {  	s26 =	simm.s32 $execute0_lowered;
	[smem:$0x3FD2] =	sst s25  }
0xb5: {  	s6 =	sshll.u32 s26, $0x1;
	_ =	strace $0x80000049;
	[dreg:$0x1] =	wrdreg $0xFFFFFFFF  }
0xb6: {  	s28 =	simm.s32 $_size_execute0_lowered;
	s4 =	sadd.s32 s4, s6;
	[dreg:$0x0] =	wrdreg $0x0  }
0xb7: {  	s6 =	sshll.u32 s28, $0x1;
	[dreg:$0x2] =	wrdreg s4  }
0xb8: {  	[dreg:$0x3] =	wrdreg s6  }
0xb9: {  	[dreg:$0x4] =	wrdreg $0xC0  }
0xba: {  	_ =	task [dreg:s22], $0x5FFFF  }
0xbb: {  	[dreg:$0x1] =	wrdreg $0xFFFFFFFF  }
0xbc: {  	[dreg:$0x0] =	wrdreg $0x60  }
0xbd: {  	[dreg:$0x2] =	wrdreg s24  }
0xbe: {  	[dreg:$0x3] =	wrdreg s18  }
0xbf: {  	[dreg:$0x4] =	wrdreg $0xAC000  }
0xc0: {  	[dreg:$0x5] =	wrdreg $0x9  }
0xc1: {  	_ =	task.clear_ibuf [dreg:s22], $0x6FFFF;
	_ =	strace $0x90000049  }
0xc2: {  	s29 =	simm.s32 $0x9;
	_ =	strace $0x8000004B  }
0xc3: {  	_ =	swait.ge [sflag:s29], $0x1  }
0xc4: {  	[sflag:s29] =	ssyncadd.s32 $0xFFFFFFFF  }
0xc5: {  	_ =	strace $0x9000004B  }
0xc6: {  	_ =	sfence  }
0xc7: {  	s30 =	sld [smem:$0x0];
	_ =	sdelay $0x2  }
0xc8: {  	s31 =	sshll.u32 s1, $0xD;
	s1 =	sshrl.u32 s1, $0x2  }
0xc9: {  	s4 =	sand.u32 $0x4000, s31;
	s1 =	sadd.s32 s1, s30  }
0xca: {  	s0 =	sor.u32 s4, s0;
	s1 =	sshll.u32 s1, $0x11  }
0xcb: {  	s0 =	sor.u32 s1, s0  }
0xcc: {  	s0 =	sadd.s32 $0x8F2B, s0  }
0xcd: {  	[sflag:s0] =	ssyncadd.remote.s32 $0x1  }
0xce: {  	_ =	sfence.sel $0xFFFF  }
0xcf: {  	[dreg:$0x0] =	wrdreg $0xFFFFFFFF;
	(pc) =	sbr.abs _section_cstart, $3  }
0xd0: {  	[dreg:$0x1] =	wrdreg $0xFFFFFFFF  }
0xd1: {  	_ =	task.clear_ibuf [dreg:s22], $0x2FFFF;
	_ =	strace $0x9FFFFFFF  }
0xd2: {  	(tm) =	ssettm $0x7FFFFFFF  }
0xd3: {  	_ =	shalt  }
tec
execute0_lowered:
.L_overlay_start_1:
0x0: {  	(tag) =	ssettag $0x1  }
0x1: {  	s5 =	rddreg [dreg:$0x0]  }
0x2: {  	s1 =	srdreg.scid;
	s9 =	rddreg [dreg:$0x1]  }
0x3: {  	s0 =	stileid.u32;
	s2 =	rddreg [dreg:$0x2]  }
0x4: {  	s3 =	simm.s32 $0x0;
	s14 =	simm.s32 $0x1400;
	s15 =	simm.s32 $0x2800  }
0x5: {  	s16 =	simm.s32 $0x6800;
	s17 =	simm.s32 $0x1;
	s10 =	smul.u32 $0x1400, s0  }
0x6: {  	s18 =	simm.s32 $0x2;
	s6 =	sand.u32 $0x1, s1;
	s12 =	smul.u32 $0x50000, s0  }
0x7: {  	s26 =	sshrl.u32 s0, $0x3;
	s1 =	rddreg [dreg:$0x3];
	s31 =	smul.u32 $0x2800, s0  }
0x8: {  	s8 =	sshll.u32 s0, $0x7;
	[smem:$0x7FF] =	sst s3;
	s4 =	smul.u32 $0x14000, s6  }
0x9: {  	s13 =	sadd.s32 $0xBF000, s5;
	s19 =	sshll.u32 s0, $0x6;
	s7 =	smul.u32 $0xA000, s26  }
0xa: {  	s8 =	sand.u32 $0x380, s8;
	_ =	strace $0x8000004A;
	s28 =	ssub.s32 $0x2, s6  }
0xb: {  	p0 =	seq.s32 s6, $0x1;
	s19 =	sor.u32 $0x1C03, s19;
	s11 =	sshrl.u32 s28, $0x1  }
0xc: {  	s30 =	sshrl.u32 s12, $0x2;
	s9 =	smov.u32 @p0 s13;
	s12 =	simm.s32 $0x80  }
0xd: {  	s13 =	simm.s32 $0x400;
	s7 =	sadd.s32 s4, s7;
	s4 =	sadd.s32 s10, s4  }
0xe: {  	s9 =	sadd.s32 s9, s31;
	s10 =	simm.s32 $0xA800;
	s7 =	sor.u32 s8, s7  }
0xf: {  	s4 =	sshrl.u32 s4, $0x3;
	s8 =	ssub.s32 s28, s11;
	s11 =	simm.s32 $0x3  }
0x10: {  	s7 =	sshrl.u32 s7, $0x3;
	s29 =	sadd.s32 s4, s5;
	s4 =	sadd.s32 $0xBA800, s5  }
0x11: {  	s8 =	smax.u32 s8, $0x1;
	s7 =	sadd.s32 s7, s5;
	s5 =	sadd.s32 s30, s2  }
0x12: {  	v0 =	vimm.f32 $0.0e+00;
	s6 =	sadd.s32 $0xB5800, s7;
	s7 =	sadd.s32 $0xB0800, s29;
	s20 =	sshrl.u32 s5, $0x3  }
.LBB2_1:
0x13: {  	[tilespmem:$0xA800] =	vst v0  }
0x14: {  	[tilespmem:$0xA810] =	vst v0  }
0x15: {  	[tilespmem:$0xA820] =	vst v0  }
0x16: {  	[tilespmem:$0xA830] =	vst v0  }
0x17: {  	[tilespmem:$0xA840] =	vst v0  }
0x18: {  	[tilespmem:$0xA850] =	vst v0  }
0x19: {  	[tilespmem:$0xA860] =	vst v0  }
0x1a: {  	[tilespmem:$0xA870] =	vst v0  }
0x1b: {  	[tilespmem:$0xA880] =	vst v0  }
0x1c: {  	[tilespmem:$0xA890] =	vst v0  }
0x1d: {  	[tilespmem:$0xA8A0] =	vst v0  }
0x1e: {  	[tilespmem:$0xA8B0] =	vst v0  }
0x1f: {  	[tilespmem:$0xA8C0] =	vst v0  }
0x20: {  	[tilespmem:$0xA8D0] =	vst v0  }
0x21: {  	[tilespmem:$0xA8E0] =	vst v0  }
0x22: {  	[tilespmem:$0xA8F0] =	vst v0  }
0x23: {  	[tilespmem:$0xA900] =	vst v0  }
0x24: {  	[tilespmem:$0xA910] =	vst v0  }
0x25: {  	[tilespmem:$0xA920] =	vst v0  }
0x26: {  	[tilespmem:$0xA930] =	vst v0  }
0x27: {  	[tilespmem:$0xA940] =	vst v0  }
0x28: {  	[tilespmem:$0xA950] =	vst v0  }
0x29: {  	[tilespmem:$0xA960] =	vst v0  }
0x2a: {  	[tilespmem:$0xA970] =	vst v0  }
0x2b: {  	[tilespmem:$0xA980] =	vst v0  }
0x2c: {  	[tilespmem:$0xA990] =	vst v0  }
0x2d: {  	[tilespmem:$0xA9A0] =	vst v0  }
0x2e: {  	[tilespmem:$0xA9B0] =	vst v0  }
0x2f: {  	[tilespmem:$0xA9C0] =	vst v0  }
0x30: {  	[tilespmem:$0xA9D0] =	vst v0  }
0x31: {  	[tilespmem:$0xA9E0] =	vst v0  }
0x32: {  	[tilespmem:$0xA9F0] =	vst v0  }
0x33: {  	[tilespmem:$0xAA00] =	vst v0  }
0x34: {  	[tilespmem:$0xAA10] =	vst v0  }
0x35: {  	[tilespmem:$0xAA20] =	vst v0  }
0x36: {  	[tilespmem:$0xAA30] =	vst v0  }
0x37: {  	[tilespmem:$0xAA40] =	vst v0  }
0x38: {  	[tilespmem:$0xAA50] =	vst v0  }
0x39: {  	[tilespmem:$0xAA60] =	vst v0  }
0x3a: {  	[tilespmem:$0xAA70] =	vst v0  }
0x3b: {  	[tilespmem:$0xAA80] =	vst v0  }
0x3c: {  	[tilespmem:$0xAA90] =	vst v0  }
0x3d: {  	[tilespmem:$0xAAA0] =	vst v0  }
0x3e: {  	[tilespmem:$0xAAB0] =	vst v0  }
0x3f: {  	[tilespmem:$0xAAC0] =	vst v0  }
0x40: {  	[tilespmem:$0xAAD0] =	vst v0  }
0x41: {  	[tilespmem:$0xAAE0] =	vst v0  }
0x42: {  	[tilespmem:$0xAAF0] =	vst v0  }
0x43: {  	[tilespmem:$0xAB00] =	vst v0  }
0x44: {  	[tilespmem:$0xAB10] =	vst v0  }
0x45: {  	[tilespmem:$0xAB20] =	vst v0  }
0x46: {  	[tilespmem:$0xAB30] =	vst v0  }
0x47: {  	[tilespmem:$0xAB40] =	vst v0  }
0x48: {  	[tilespmem:$0xAB50] =	vst v0  }
0x49: {  	[tilespmem:$0xAB60] =	vst v0  }
0x4a: {  	[tilespmem:$0xAB70] =	vst v0  }
0x4b: {  	[tilespmem:$0xAB80] =	vst v0  }
0x4c: {  	[tilespmem:$0xAB90] =	vst v0  }
0x4d: {  	[tilespmem:$0xABA0] =	vst v0  }
0x4e: {  	[tilespmem:$0xABB0] =	vst v0  }
0x4f: {  	[tilespmem:$0xABC0] =	vst v0  }
0x50: {  	[tilespmem:$0xABD0] =	vst v0  }
0x51: {  	[tilespmem:$0xABE0] =	vst v0  }
0x52: {  	[tilespmem:$0xABF0] =	vst v0;
	s21 =	sadd.s32 $0x0, s5  }
0x53: {  	[spmem:s21] =	stream.linear.scatter [tilespmem:s10], [sflag:$0x3], $0x400, $0x38;
	[tilespmem:$0x1EC00] =	vst v63  }
0x54: {  	s21 =	simm.s32 $0x1000;
	_ =	swait.ge [sflag:s11], $0x400  }
.LBB2_2:
0x55: {  	s22 =	sshra.s32 s21, $0x2;
	[sflag:s11] =	ssyncset.done $0x0;
	p0 =	sne.s32 s21, $0x4F000  }
.Ltmp0:
0x56: {  	s22 =	sadd.s32 s22, s5;
	[sflag:s11] =	ssyncadd.s32 $0xFFFFFC00;
	(pc) =	sbr.rel @p0 .LBB2_2-.Ltmp0, $3  }
0x57: {  	[spmem:s22] =	stream.linear.scatter [tilespmem:s10], [sflag:$0x3], $0x400, $0x38;
	[tilespmem:$0x1EC00] =	vst v63  }
0x58: {  	s21 =	sadd.s32 $0x1000, s21;
	_ =	sdelay $0x1  }
0x59: {  	_ =	swait.ge [sflag:s11], $0x400  }
0x5a: {  	[sflag:s11] =	ssyncset.done $0x0  }
0x5b: {  	s21 =	simm.s32 $0x0;
	[sflag:s11] =	ssyncadd.s32 $0xFFFFFC00  }
0x5c: {  	[tilespmem:s21], [sflag:$0x3] =	stream.strided.gather [hbm4b:s6+s12], $0x1400, s13, s12, $0x38;
	[tilespmem:$0x1EC00] =	vst v63  }
0x5d: {  	_ =	swait.ge [sflag:s11], $0x1400  }
0x5e: {  	[sflag:s11] =	ssyncset.done $0x0  }
0x5f: {  	[sflag:s11] =	ssyncadd.s32 $0xFFFFEC00  }
0x60: {  	[tilespmem:s14], [sflag:$0x3] =	stream.linear.gather [hbm4b:s7+s21], $0x1400, $0x38;
	[tilespmem:$0x1EC00] =	vst v63  }
0x61: {  	_ =	swait.ge [sflag:s11], $0x1400  }
0x62: {  	[sflag:s11] =	ssyncset.done $0x0  }
0x63: {  	[sflag:s11] =	ssyncadd.s32 $0xFFFFEC00  }
0x64: {  	s28 =	simm.s32 $0x0;
	[bflag:$0x0] =	sbarrier.arrive $0xFFFF  }
0x65: {  	[tilespmem:s15], [sflag:$0x1] =	stream.indirect.gather [hbm4b:s4+s12], $0x80, s28, s12, $0xb8;
	[tilespmem:$0x1EC00] =	vst v63  }
0x66: {  	s29 =	simm.s32 $0x80  }
0x67: {  	[tilespmem:s16], [sflag:$0x2] =	stream.indirect.gather [hbm4b:s4+s12], $0x80, s29, s12, $0xb8;
	[tilespmem:$0x1EC00] =	vst v63  }
0x68: {  	_ =	swait.ge [sflag:s17], $0x4000  }
0x69: {  	[sflag:s17] =	ssyncset.done $0x0  }
0x6a: {  	s30 =	simm.s32 $0x1400;
	[sflag:s17] =	ssyncadd.s32 $0xFFFFC000  }
0x6b: {  	[spmem:s2] =	stream.indirect.scatter.add.f32 [tilespmem:s15], [sflag:$0x3], $0x80, s30, s12, $0xb8;
	[tilespmem:$0x1EC00] =	vst v63  }
0x6c: {  	_ =	swait.ge [sflag:s11], $0x4000  }
0x6d: {  	[sflag:s11] =	ssyncset.done $0x0  }
0x6e: {  	[sflag:s11] =	ssyncadd.s32 $0xFFFFC000  }
0x6f: {  	_ =	swait.ge [sflag:s18], $0x4000  }
0x70: {  	[sflag:s18] =	ssyncset.done $0x0  }
0x71: {  	s31 =	simm.s32 $0x1480;
	[sflag:s18] =	ssyncadd.s32 $0xFFFFC000  }
0x72: {  	[spmem:s2] =	stream.indirect.scatter.add.f32 [tilespmem:s16], [sflag:$0x3], $0x80, s31, s12, $0xb8;
	[tilespmem:$0x1EC00] =	vst v63  }
0x73: {  	_ =	swait.ge [sflag:s11], $0x4000  }
0x74: {  	s22 =	simm.s32 $0x800;
	s21 =	simm.s32 $0x400;
	[sflag:s11] =	ssyncset.done $0x0  }
.LBB2_4:
0x75: {  	s23 =	sshra.s32 s21, $0x2  }
0x76: {  	[sflag:s11] =	ssyncadd.s32 $0xFFFFC000;
	s21 =	smov.u32 s22;
	s24 =	sadd.s32 $0x400, s22  }
0x77: {  	[tilespmem:s15], [sflag:$0x1] =	stream.indirect.gather [hbm4b:s4+s12], $0x80, s23, s12, $0xb8;
	[tilespmem:$0x1EC00] =	vst v63  }
0x78: {  	p0 =	sne.s32 s22, $0x4C00;
	s22 =	sadd.s32 $0x80, s23  }
0x79: {  	[tilespmem:s16], [sflag:$0x2] =	stream.indirect.gather [hbm4b:s4+s12], $0x80, s22, s12, $0xb8;
	[tilespmem:$0x1EC00] =	vst v63  }
0x7a: {  	_ =	swait.ge [sflag:s17], $0x4000  }
0x7b: {  	[sflag:s17] =	ssyncset.done $0x0  }
0x7c: {  	s22 =	sadd.s32 $0x1400, s23;
	[sflag:s17] =	ssyncadd.s32 $0xFFFFC000  }
0x7d: {  	[spmem:s2] =	stream.indirect.scatter.add.f32 [tilespmem:s15], [sflag:$0x3], $0x80, s22, s12, $0xb8;
	[tilespmem:$0x1EC00] =	vst v63  }
0x7e: {  	_ =	swait.ge [sflag:s11], $0x4000  }
0x7f: {  	[sflag:s11] =	ssyncset.done $0x0  }
0x80: {  	[sflag:s11] =	ssyncadd.s32 $0xFFFFC000  }
0x81: {  	_ =	swait.ge [sflag:s18], $0x4000  }
.Ltmp1:
0x82: {  	[sflag:s18] =	ssyncset.done $0x0;
	(pc) =	sbr.rel @p0 .LBB2_4-.Ltmp1, $4  }
0x83: {  	s22 =	sadd.s32 $0x1480, s23;
	[sflag:s18] =	ssyncadd.s32 $0xFFFFC000  }
0x84: {  	[spmem:s2] =	stream.indirect.scatter.add.f32 [tilespmem:s16], [sflag:$0x3], $0x80, s22, s12, $0xb8;
	[tilespmem:$0x1EC00] =	vst v63  }
0x85: {  	_ =	swait.ge [sflag:s11], $0x4000  }
0x86: {  	s22 =	smov.u32 s24;
	[sflag:s11] =	ssyncset.done $0x0  }
0x87: {  	s21 =	sshra.s32 s21, $0x2;
	[sflag:s11] =	ssyncadd.s32 $0xFFFFC000  }
0x88: {  	[tilespmem:s15], [sflag:$0x1] =	stream.indirect.gather [hbm4b:s4+s12], $0x80, s21, s12, $0xb8;
	[tilespmem:$0x1EC00] =	vst v63  }
0x89: {  	s22 =	sadd.s32 $0x80, s21  }
0x8a: {  	[tilespmem:s16], [sflag:$0x2] =	stream.indirect.gather [hbm4b:s4+s12], $0x80, s22, s12, $0xb8;
	[tilespmem:$0x1EC00] =	vst v63  }
0x8b: {  	_ =	swait.ge [sflag:s17], $0x4000  }
0x8c: {  	[sflag:s17] =	ssyncset.done $0x0  }
0x8d: {  	s31 =	sadd.s32 $0x1400, s21;
	[sflag:s17] =	ssyncadd.s32 $0xFFFFC000  }
0x8e: {  	[spmem:s2] =	stream.indirect.scatter.add.f32 [tilespmem:s15], [sflag:$0x3], $0x80, s31, s12, $0xb8;
	[tilespmem:$0x1EC00] =	vst v63  }
0x8f: {  	_ =	swait.ge [sflag:s11], $0x4000  }
0x90: {  	[sflag:s11] =	ssyncset.done $0x0  }
0x91: {  	[sflag:s11] =	ssyncadd.s32 $0xFFFFC000  }
0x92: {  	_ =	swait.ge [sflag:s18], $0x4000  }
0x93: {  	[sflag:s18] =	ssyncset.done $0x0  }
0x94: {  	s21 =	sadd.s32 $0x1480, s21;
	[sflag:s18] =	ssyncadd.s32 $0xFFFFC000  }
0x95: {  	[spmem:s2] =	stream.indirect.scatter.add.f32 [tilespmem:s16], [sflag:$0x3], $0x80, s21, s12, $0xb8;
	[tilespmem:$0x1EC00] =	vst v63  }
0x96: {  	_ =	swait.ge [sflag:s11], $0x4000  }
0x97: {  	s3 =	sadd.s32 $0x1, s3;
	[sflag:s11] =	ssyncset.done $0x0  }
0x98: {  	p0 =	sne.s32 s3, s8;
	[sflag:s11] =	ssyncadd.s32 $0xFFFFC000  }
.Ltmp2:
0x99: {  	[bflag:$0x0] =	sbarrier.arrive $0xFFFF;
	(pc) =	sbr.rel @p0 .LBB2_1-.Ltmp2, $4  }
0x9a: {  	[hbm:s9], [sflag:s19] =	dma.local [spmem:s20], $0x2800  }
0x9b: {  	_ =	swait.ge [sflag:s11], $0x2800  }
0x9c: {  	[sflag:s11] =	ssyncset.done $0x0  }
0x9d: {  	[sflag:s11] =	ssyncadd.s32 $0xFFFFD800  }
0x9e: {  	_ =	sfence.sel $0x180000  }
0x9f: {  	[bflag:$0x0] =	sbarrier.arrive $0xFFFF  }
0xa0: {  	p0 =	sne.s32 s0, $0x0;
	_ =	strace $0x9000004A  }
0xa1: {  	s0 =	sadd.s32 @!p0 $0x100000, s1;
	[bflag:$0x2] =	sbarrier.arrive $0xFFFF  }
0xa2: {  	[sflag:s0] =	ssyncadd.tile.s32 @!p0 $0x1;
	_ =	shalt  }
.Lfunc_end2:
_tile_overlayer_lowered:
.L_overlay_start_2:
0xa3: {  	(tag) =	ssettag $0x2  }
0xa4: {  	s0 =	rddreg [dreg:$0x0];
	s2 =	stileid.u32  }
0xa5: {  	s1 =	rddreg [dreg:$0x1];
	p0 =	sne.s32 s2, $0x0  }
0xa6: {  	s3 =	rddreg [dreg:$0x2];
	[bflag:$0x3] =	sbarrier.arrive $0xFFFF;
	s2 =	simm.s32 @!p0 $0x1C03  }
0xa7: {  	[timem:s3], [sflag:s2] =	dma.local @!p0 [hbm:s0], s1  }
0xa8: {  	s0 =	simm.s32 @!p0 $0x3  }
0xa9: {  	_ =	swait.ge @!p0 [sflag:s0], s1  }
0xaa: {  	s1 =	ssub.s32 @!p0 $0x0, s1;
	[sflag:s0] =	ssyncset.done @!p0 $0x0  }
0xab: {  	[sflag:s0] =	ssyncadd.s32 @!p0 s1  }
0xac: {  	[bflag:$0x3] =	sbarrier.arrive $0xFFFF  }
0xad: {  	_ =	shalt  }

// kernel: kernel.13.cloned.1.call-start
scs
__scs_entry_jumppad:
0x0: {  	(pc) =	sbr.rel $0x88, $3  }
0x1: {  	(tag) =	ssettag $0x0;
	lr =	simm.s32 $0x1  }
0x2: {  	[smem:$0x3F8A] =	sst lr;
	_ =	strace $0xD0000000  }
0x3: {  	_ = 	snop  }
0x4: {  	_ = 	snop  }
0x5: {  	_ = 	snop  }
0x6: {  	_ = 	snop  }
0x7: {  	_ = 	snop  }
__scs_overlays_trampoline_lowered:
0x8: {  	[smem:$0x3F99] =	sst s0  }
0x9: {  	[smem:$0x3F9A] =	sst s1  }
0xa: {  	[smem:$0x3F9B] =	sst s2  }
0xb: {  	[smem:$0x3F9C] =	sst s3  }
0xc: {  	[smem:$0x3F9D] =	sst s4  }
0xd: {  	[smem:$0x3F9E] =	sst s5  }
0xe: {  	[smem:$0x3F9F] =	sst s6  }
0xf: {  	[smem:$0x3FA0] =	sst s7  }
0x10: {  	[smem:$0x3FA1] =	sst s8  }
0x11: {  	[smem:$0x3FA2] =	sst s9;
	s0 =	simm.s32 @!p0 $0x0  }
0x12: {  	s1 =	sld [smem:$0x3F88];
	s0 =	simm.s32 @p0 $0x1  }
0x13: {  	[smem:$0x3FA3] =	sst s0;
	s0 =	simm.s32 @!p1 $0x0  }
0x14: {  	s2 =	sld [smem:$0x3F87];
	s0 =	simm.s32 @p1 $0x1  }
0x15: {  	[smem:$0x3FA4] =	sst s0;
	s0 =	simm.s32 @!p2 $0x0  }
0x16: {  	s3 =	sld [smem:$0x3FDB];
	s0 =	simm.s32 @p2 $0x1  }
0x17: {  	s4 =	simm.s32 $0x1BF5;
	[smem:$0x3FA6] =	sst s0  }
0x18: {  	s0 =	sld [smem:$0x3F89];
	_ =	swait.ge [sflag:s4], $0x0  }
0x19: {  	s7 =	sld [smem:$0x3F8A]  }
0x1a: {  	s8 =	sadd.s32 $0xFFFFE003, lr  }
0x1b: {  	s9 =	sadd.s32 $0xFFFFFEF7, lr;
	s5 =	simm.s32 $0xFFFFFFFF;
	p2 =	slt.u32 s8, $0xFFFFF086  }
0x1c: {  	p1 =	slt.u32 s9, $0xF7A;
	s5 =	simm.s32 @!p2 $0x0  }
0x1d: {  	s5 =	simm.s32 @p1 $0x1;
	p0 =	seq.s32 s7, s2  }
0x1e: {  	s7 =	smul.u32 @!p0 $0xF7A, s2;
	p2 =	seq.s32 @!p0 s5, $0x0  }
0x1f: {  	s9 =	smul.u32 $0xF7A, s1;
	s8 =	simm.s32 @!p0 $0x1BF5;
	p2 =	por !p2, p0  }
0x20: {  	[sflag:s8] =	ssyncset.s32 @!p0 $0xFFFFF086;
	s6 =	sadd.s32 @!p0 s3, s7;
	s7 =	simm.s32 @!p0 $0x108  }
0x21: {  	s3 =	sadd.s32 s3, s9;
	s6 =	sadd.s32 @!p0 $0x88, s6;
	s7 =	simm.s32 @p2 $0x1082  }
0x22: {  	[simem:s7], [sflag:s8] =	dma.local @!p0 [hbm:s6], $0xF7A  }
0x23: {  	s9 =	sor.u32 $0xD0000000, s2;
	s6 =	simm.s32 $0x108;
	_ =	swait.ge @!p0 [sflag:s8], $0x0  }
0x24: {  	s3 =	sadd.s32 $0x88, s3;
	s6 =	simm.s32 @!p1 $0x1082;
	[sflag:s4] =	ssyncset.s32 $0xFFFFF086  }
0x25: {  	[simem:s6], [sflag:s4] =	dma.local [hbm:s3], $0xF7A  }
0x26: {  	[smem:$0x3F8A] =	sst s1;
	(tag) =	ssettag s2;
	_ =	strace s9  }
0x27: {  	s1 =	sld [smem:$0x3F9A]  }
0x28: {  	s2 =	sld [smem:$0x3F9B]  }
0x29: {  	s4 =	sld [smem:$0x3F9D]  }
0x2a: {  	p0 =	seq.s32 s5, $0x0;
	s5 =	sld [smem:$0x3F9E]  }
0x2b: {  	s6 =	sld [smem:$0x3F9F]  }
0x2c: {  	s7 =	sld [smem:$0x3FA0]  }
0x2d: {  	s3 =	simm.s32 $0x108;
	s8 =	sld [smem:$0x3FA1]  }
0x2e: {  	s3 =	simm.s32 @!p0 $0x1082;
	s9 =	sld [smem:$0x3FA2]  }
0x2f: {  	lr =	sadd.s32 s0, s3;
	s0 =	sld [smem:$0x3F99]  }
0x30: {  	s3 =	sld [smem:$0x3F9C]  }
0x31: {  	[smem:$0x3FA5] =	sst s10  }
0x32: {  	s10 =	sld [smem:$0x3FA3];
	_ =	sdelay $0x3  }
0x33: {  	p0 =	seq.s32 s10, $0x1;
	s10 =	sld [smem:$0x3FA5];
	_ =	sdelay $0x3  }
0x34: {  	[smem:$0x3FA5] =	sst s10  }
0x35: {  	s10 =	sld [smem:$0x3FA4];
	_ =	sdelay $0x3  }
0x36: {  	p1 =	seq.s32 s10, $0x1;
	s10 =	sld [smem:$0x3FA5];
	_ =	sdelay $0x3  }
0x37: {  	[smem:$0x3FA5] =	sst s10  }
0x38: {  	s10 =	sld [smem:$0x3FA6]  }
0x39: {  	_ = 	snop;
	(pc) =	sbr.ind lr, $3  }
0x3a: {  	_ = 	snop  }
0x3b: {  	_ = 	snop  }
0x3c: {  	p2 =	seq.s32 s10, $0x1;
	s10 =	sld [smem:$0x3FA5]  }
0x3d: {  	_ =	shalt  }
0x3e: {  	_ =	shalt  }
0x3f: {  	_ =	shalt  }
0x40: {  	_ =	shalt  }
0x41: {  	_ =	shalt  }
0x42: {  	_ =	shalt  }
0x43: {  	_ =	shalt  }
0x44: {  	_ =	shalt  }
0x45: {  	_ =	shalt  }
0x46: {  	_ =	shalt  }
0x47: {  	_ =	shalt  }
0x48: {  	_ =	shalt  }
0x49: {  	_ =	shalt  }
0x4a: {  	_ =	shalt  }
0x4b: {  	_ =	shalt  }
0x4c: {  	_ =	shalt  }
0x4d: {  	_ =	shalt  }
0x4e: {  	_ =	shalt  }
0x4f: {  	_ =	shalt  }
0x50: {  	_ =	shalt  }
0x51: {  	_ =	shalt  }
0x52: {  	_ =	shalt  }
0x53: {  	_ =	shalt  }
0x54: {  	_ =	shalt  }
0x55: {  	_ =	shalt  }
0x56: {  	_ =	shalt  }
0x57: {  	_ =	shalt  }
0x58: {  	_ =	shalt  }
0x59: {  	_ =	shalt  }
0x5a: {  	_ =	shalt  }
0x5b: {  	_ =	shalt  }
0x5c: {  	_ =	shalt  }
0x5d: {  	_ =	shalt  }
0x5e: {  	_ =	shalt  }
0x5f: {  	_ =	shalt  }
0x60: {  	_ =	shalt  }
0x61: {  	_ =	shalt  }
0x62: {  	_ =	shalt  }
0x63: {  	_ =	shalt  }
0x64: {  	_ =	shalt  }
0x65: {  	_ =	shalt  }
0x66: {  	_ =	shalt  }
0x67: {  	_ =	shalt  }
0x68: {  	_ =	shalt  }
0x69: {  	_ =	shalt  }
0x6a: {  	_ =	shalt  }
0x6b: {  	_ =	shalt  }
0x6c: {  	_ =	shalt  }
0x6d: {  	_ =	shalt  }
0x6e: {  	_ =	shalt  }
0x6f: {  	_ =	shalt  }
0x70: {  	_ =	shalt  }
0x71: {  	_ =	shalt  }
0x72: {  	_ =	shalt  }
0x73: {  	_ =	shalt  }
0x74: {  	_ =	shalt  }
0x75: {  	_ =	shalt  }
0x76: {  	_ =	shalt  }
0x77: {  	_ =	shalt  }
0x78: {  	_ =	shalt  }
0x79: {  	_ =	shalt  }
0x7a: {  	_ =	shalt  }
0x7b: {  	_ =	shalt  }
0x7c: {  	_ =	shalt  }
0x7d: {  	_ =	shalt  }
0x7e: {  	_ =	shalt  }
0x7f: {  	_ =	shalt  }
0x80: {  	_ =	shalt  }
0x81: {  	_ =	shalt  }
0x82: {  	_ =	shalt  }
0x83: {  	_ =	shalt  }
0x84: {  	_ =	shalt  }
0x85: {  	_ =	shalt  }
0x86: {  	_ =	shalt  }
0x87: {  	_ =	shalt  }
.Lfunc_end0:
.L_simem_size_0:
called_computation.1_lowered:
.L_overlay_start_0:
0x88: {  	s2 =	sld [smem:$0x3FD9]  }
0x89: {  	s3 =	sld [smem:$0x3FFE];
	_ =	sdelay $0x1  }
0x8a: {  	s1 =	srdreg.scid  }
0x8b: {  	s0 =	sand.u32 $0x1, s1  }
0x8c: {  	s16 =	sshll.u32 s0, $0xA;
	s2 =	sadd.s32 s3, s2  }
0x8d: {  	s2 =	sadd.s32 s2, s16  }
0x8e: {  	[smem:$0x3FB1] =	sst s2  }
0x8f: {  	_ = 	snop  }
0x90: {  	(tm) =	ssettm $0x1  }
0x91: {  	s17 =	sld [smem:$0x3FFB];
	_ =	sdelay $0x3  }
0x92: {  	_ =	strace s17  }
0x93: {  	s2 =	sld [smem:$0x3FFC];
	_ =	sdelay $0x3  }
0x94: {  	_ =	strace s2  }
0x95: {  	s2 =	sld [smem:$0x3FFD];
	_ =	sdelay $0x3  }
0x96: {  	_ =	strace s2  }
0x97: {  	_ =	strace $0x8FFFFFFF  }
0x98: {  	s18 =	sld [smem:$0x3FDB];
	_ =	sdelay $0x1  }
0x99: {  	s19 =	simm.s32 $_scs_section_size  }
0x9a: {  	s4 =	simm.s32 $_size__tile_overlayer_lowered;
	s5 =	simm.s32 $_tile_overlayer_lowered  }
0x9b: {  	s22 =	simm.s32 $0x1BFF;
	s21 =	sshll.u32 s5, $0x1;
	s2 =	sadd.s32 s19, s18  }
0x9c: {  	s6 =	simm.s32 $0x0;
	s20 =	sshll.u32 s4, $0x1;
	s4 =	sadd.s32 s21, s2  }
0x9d: {  	[timem:s6], [sflag:s22] =	dma.local [hbm:s4], s20  }
0x9e: {  	_ =	swait.ge [sflag:s22], s20  }
0x9f: {  	s3 =	ssub.s32 $0x0, s20;
	[sflag:s22] =	ssyncset.done $0x0  }
0xa0: {  	[sflag:s22] =	ssyncadd.s32 s3;
	_ =	sdelay $0x1  }
0xa1: {  	s23 =	simm.s32 $0x1B8B  }
0xa2: {  	_ =	swait.ge [sflag:s23], $0x1  }
0xa3: {  	[sflag:s23] =	ssyncset.done $0x0  }
0xa4: {  	s25 =	simm.s32 $0x1B8E;
	s24 =	sld [smem:$0x3FFE];
	[sflag:s23] =	ssyncadd.s32 $0xFFFFFFFF  }
0xa5: {  	s26 =	simm.s32 $execute0_lowered;
	[smem:$0x3FD2] =	sst s25  }
0xa6: {  	s4 =	sshll.u32 s26, $0x1;
	_ =	strace $0x80000046;
	[dreg:$0x1] =	wrdreg $0xFFFFFFFF  }
0xa7: {  	s28 =	simm.s32 $_size_execute0_lowered;
	s2 =	sadd.s32 s2, s4;
	[dreg:$0x0] =	wrdreg $0x0  }
0xa8: {  	s4 =	sshll.u32 s28, $0x1;
	[dreg:$0x2] =	wrdreg s2  }
0xa9: {  	[dreg:$0x3] =	wrdreg s4  }
0xaa: {  	[dreg:$0x4] =	wrdreg $0xC0  }
0xab: {  	_ =	task [dreg:s6], $0x5FFFF  }
0xac: {  	[dreg:$0x1] =	wrdreg $0xFFFFFFFF  }
0xad: {  	[dreg:$0x0] =	wrdreg $0x60  }
0xae: {  	[dreg:$0x2] =	wrdreg s24  }
0xaf: {  	[dreg:$0x3] =	wrdreg $0xBB800  }
0xb0: {  	[dreg:$0x4] =	wrdreg $0xA  }
0xb1: {  	_ =	task.clear_ibuf [dreg:s6], $0x5FFFF;
	_ =	strace $0x90000046  }
0xb2: {  	s29 =	simm.s32 $0xA;
	_ =	strace $0x80000048  }
0xb3: {  	_ =	swait.ge [sflag:s29], $0x1  }
0xb4: {  	[sflag:s29] =	ssyncadd.s32 $0xFFFFFFFF  }
0xb5: {  	_ =	strace $0x90000048  }
0xb6: {  	_ =	sfence  }
0xb7: {  	s30 =	sld [smem:$0x0];
	_ =	sdelay $0x2  }
0xb8: {  	s31 =	sshll.u32 s1, $0xD;
	s1 =	sshrl.u32 s1, $0x2  }
0xb9: {  	s3 =	sand.u32 $0x4000, s31;
	s1 =	sadd.s32 s1, s30  }
0xba: {  	s0 =	sor.u32 s3, s0;
	s1 =	sshll.u32 s1, $0x11  }
0xbb: {  	s0 =	sor.u32 s1, s0  }
0xbc: {  	s0 =	sadd.s32 $0x8F2B, s0  }
0xbd: {  	[sflag:s0] =	ssyncadd.remote.s32 $0x1  }
0xbe: {  	_ =	sfence.sel $0xFFFF  }
0xbf: {  	[dreg:$0x0] =	wrdreg $0xFFFFFFFF;
	(pc) =	sbr.abs _section_cstart, $3  }
0xc0: {  	[dreg:$0x1] =	wrdreg $0xFFFFFFFF  }
0xc1: {  	_ =	task.clear_ibuf [dreg:s6], $0x2FFFF;
	_ =	strace $0x9FFFFFFF  }
0xc2: {  	(tm) =	ssettm $0x7FFFFFFF  }
0xc3: {  	_ =	shalt  }
tec
execute0_lowered:
.L_overlay_start_1:
0x0: {  	(tag) =	ssettag $0x1  }
0x1: {  	s7 =	rddreg [dreg:$0x0]  }
0x2: {  	s2 =	rddreg [dreg:$0x1]  }
0x3: {  	s1 =	stileid.u32;
	s0 =	rddreg [dreg:$0x2]  }
0x4: {  	s3 =	simm.s32 $0x0;
	s8 =	srdreg.scid;
	s13 =	simm.s32 $0xB780  }
0x5: {  	s14 =	simm.s32 $0x3;
	s15 =	simm.s32 $0x80;
	s16 =	simm.s32 $0x400  }
0x6: {  	s18 =	simm.s32 $0x6780;
	s19 =	simm.s32 $0x8F80;
	s20 =	simm.s32 $0x1  }
0x7: {  	s21 =	simm.s32 $0x4;
	s22 =	simm.s32 $0x2;
	s23 =	simm.s32 $0x26C0  }
0x8: {  	s24 =	simm.s32 $0x6580;
	s4 =	sshrl.u32 s1, $0x3;
	s5 =	sshll.u32 s1, $0x7  }
0x9: {  	[smem:$0x7FF] =	sst s3;
	s17 =	sand.u32 $0x1, s8;
	s10 =	smul.u32 $0x50000, s1  }
0xa: {  	s30 =	sshll.u32 s1, $0xB;
	s4 =	smul.u32 $0x13C00, s4;
	s5 =	sand.u32 $0x380, s5  }
0xb: {  	_ =	strace $0x80000047;
	s8 =	ssub.s32 $0x2, s17;
	s11 =	sadd.s32 s30, s7  }
0xc: {  	p0 =	sne.s32 s17, $0x0;
	s17 =	simm.s32 $0x50;
	s12 =	sshrl.u32 s8, $0x1  }
.Ltmp0:
0xd: {  	s31 =	sshrl.u32 s10, $0x2;
	s10 =	sadd.s32 $0x5400, s11;
	(pc) =	sbr.rel .LBB2_1-.Ltmp0, $4  }
0xe: {  	s11 =	smul.u32 $0x2800, s1;
	s5 =	sor.u32 s5, s4;
	s4 =	sadd.s32 $0x12400, s7  }
0xf: {  	s12 =	ssub.s32 s8, s12;
	s8 =	sadd.s32 s31, s2;
	s6 =	sshrl.u32 s5, $0x3  }
0x10: {  	s5 =	sadd.s32 $0x39600, s7;
	s12 =	smax.u32 s12, $0x1;
	s9 =	sadd.s32 s6, s7  }
0x11: {  	v0 =	vimm.f32 $0.0e+00;
	s6 =	sadd.s32 $0x60800, s7;
	s7 =	sadd.s32 $0x88800, s7;
	s9 =	sadd.s32 $0xD400, s9  }
.LBB2_9:
0x12: {  	s25 =	smov.u32 s7;
	s26 =	smov.u32 s5  }
.LBB2_10:
0x13: {  	[tilespmem:s18], [sflag:$0x1] =	stream.indirect.gather [hbm4b:s26+s17], $0x80, s23, s17, $0xb8;
	[tilespmem:$0x1FB80] =	vst v63  }
0x14: {  	_ =	swait.ge [sflag:s20], $0x2800  }
0x15: {  	[sflag:s20] =	ssyncset.done $0x0  }
0x16: {  	[sflag:s20] =	ssyncadd.s32 $0xFFFFD800  }
0x17: {  	[spmem:s2] =	stream.indirect.scatter.add.f32 [tilespmem:s18], [sflag:$0x3], $0x80, s24, s17, $0xb8;
	[tilespmem:$0x1FB80] =	vst v63  }
0x18: {  	s31 =	sshll.u32 s1, $0x6;
	_ =	swait.ge [sflag:s14], $0x2800  }
0x19: {  	s25 =	sadd.s32 s25, s11;
	s3 =	sadd.s32 $0x1, s3;
	[sflag:s14] =	ssyncset.done $0x0  }
0x1a: {  	s28 =	sshrl.u32 s8, $0x3;
	p1 =	sne.s32 s3, s12;
	[sflag:s14] =	ssyncadd.s32 $0xFFFFD800  }
.Ltmp1:
0x1b: {  	s26 =	sor.u32 $0x1C03, s31;
	[bflag:$0x0] =	sbarrier.arrive $0xFFFF;
	(pc) =	sbr.rel @!p1 .LBB2_11-.Ltmp1, $4  }
0x1c: {  	[hbm:s25], [sflag:s26] =	dma.local [spmem:s28], $0x2800  }
0x1d: {  	_ =	swait.ge [sflag:s14], $0x2800  }
0x1e: {  	[sflag:s14] =	ssyncset.done $0x0  }
0x1f: {  	[sflag:s14] =	ssyncadd.s32 $0xFFFFD800  }
.LBB2_1:
0x20: {  	[tilespmem:$0xB780] =	vst v0  }
0x21: {  	[tilespmem:$0xB790] =	vst v0  }
0x22: {  	[tilespmem:$0xB7A0] =	vst v0  }
0x23: {  	[tilespmem:$0xB7B0] =	vst v0  }
0x24: {  	[tilespmem:$0xB7C0] =	vst v0  }
0x25: {  	[tilespmem:$0xB7D0] =	vst v0  }
0x26: {  	[tilespmem:$0xB7E0] =	vst v0  }
0x27: {  	[tilespmem:$0xB7F0] =	vst v0  }
0x28: {  	[tilespmem:$0xB800] =	vst v0  }
0x29: {  	[tilespmem:$0xB810] =	vst v0  }
0x2a: {  	[tilespmem:$0xB820] =	vst v0  }
0x2b: {  	[tilespmem:$0xB830] =	vst v0  }
0x2c: {  	[tilespmem:$0xB840] =	vst v0  }
0x2d: {  	[tilespmem:$0xB850] =	vst v0  }
0x2e: {  	[tilespmem:$0xB860] =	vst v0  }
0x2f: {  	[tilespmem:$0xB870] =	vst v0  }
0x30: {  	[tilespmem:$0xB880] =	vst v0  }
0x31: {  	[tilespmem:$0xB890] =	vst v0  }
0x32: {  	[tilespmem:$0xB8A0] =	vst v0  }
0x33: {  	[tilespmem:$0xB8B0] =	vst v0  }
0x34: {  	[tilespmem:$0xB8C0] =	vst v0  }
0x35: {  	[tilespmem:$0xB8D0] =	vst v0  }
0x36: {  	[tilespmem:$0xB8E0] =	vst v0  }
0x37: {  	[tilespmem:$0xB8F0] =	vst v0  }
0x38: {  	[tilespmem:$0xB900] =	vst v0  }
0x39: {  	[tilespmem:$0xB910] =	vst v0  }
0x3a: {  	[tilespmem:$0xB920] =	vst v0  }
0x3b: {  	[tilespmem:$0xB930] =	vst v0  }
0x3c: {  	[tilespmem:$0xB940] =	vst v0  }
0x3d: {  	[tilespmem:$0xB950] =	vst v0  }
0x3e: {  	[tilespmem:$0xB960] =	vst v0  }
0x3f: {  	[tilespmem:$0xB970] =	vst v0  }
0x40: {  	[tilespmem:$0xB980] =	vst v0  }
0x41: {  	[tilespmem:$0xB990] =	vst v0  }
0x42: {  	[tilespmem:$0xB9A0] =	vst v0  }
0x43: {  	[tilespmem:$0xB9B0] =	vst v0  }
0x44: {  	[tilespmem:$0xB9C0] =	vst v0  }
0x45: {  	[tilespmem:$0xB9D0] =	vst v0  }
0x46: {  	[tilespmem:$0xB9E0] =	vst v0  }
0x47: {  	[tilespmem:$0xB9F0] =	vst v0  }
0x48: {  	[tilespmem:$0xBA00] =	vst v0  }
0x49: {  	[tilespmem:$0xBA10] =	vst v0  }
0x4a: {  	[tilespmem:$0xBA20] =	vst v0  }
0x4b: {  	[tilespmem:$0xBA30] =	vst v0  }
0x4c: {  	[tilespmem:$0xBA40] =	vst v0  }
0x4d: {  	[tilespmem:$0xBA50] =	vst v0  }
0x4e: {  	[tilespmem:$0xBA60] =	vst v0  }
0x4f: {  	[tilespmem:$0xBA70] =	vst v0  }
0x50: {  	[tilespmem:$0xBA80] =	vst v0  }
0x51: {  	[tilespmem:$0xBA90] =	vst v0  }
0x52: {  	[tilespmem:$0xBAA0] =	vst v0  }
0x53: {  	[tilespmem:$0xBAB0] =	vst v0  }
0x54: {  	[tilespmem:$0xBAC0] =	vst v0  }
0x55: {  	[tilespmem:$0xBAD0] =	vst v0  }
0x56: {  	[tilespmem:$0xBAE0] =	vst v0  }
0x57: {  	[tilespmem:$0xBAF0] =	vst v0  }
0x58: {  	[tilespmem:$0xBB00] =	vst v0  }
0x59: {  	[tilespmem:$0xBB10] =	vst v0  }
0x5a: {  	[tilespmem:$0xBB20] =	vst v0  }
0x5b: {  	[tilespmem:$0xBB30] =	vst v0  }
0x5c: {  	[tilespmem:$0xBB40] =	vst v0  }
0x5d: {  	[tilespmem:$0xBB50] =	vst v0  }
0x5e: {  	[tilespmem:$0xBB60] =	vst v0  }
0x5f: {  	[tilespmem:$0xBB70] =	vst v0;
	s25 =	sadd.s32 $0x0, s8  }
0x60: {  	[spmem:s25] =	stream.linear.scatter [tilespmem:s13], [sflag:$0x3], $0x400, $0x38;
	[tilespmem:$0x1FB80] =	vst v63  }
0x61: {  	s25 =	simm.s32 $0x1000;
	_ =	swait.ge [sflag:s14], $0x400  }
.LBB2_2:
0x62: {  	s26 =	sshra.s32 s25, $0x2;
	[sflag:s14] =	ssyncset.done $0x0;
	p1 =	sne.s32 s25, $0x4F000  }
.Ltmp2:
0x63: {  	s26 =	sadd.s32 s26, s8;
	[sflag:s14] =	ssyncadd.s32 $0xFFFFFC00;
	(pc) =	sbr.rel @p1 .LBB2_2-.Ltmp2, $3  }
0x64: {  	[spmem:s26] =	stream.linear.scatter [tilespmem:s13], [sflag:$0x3], $0x400, $0x38;
	[tilespmem:$0x1FB80] =	vst v63  }
0x65: {  	s25 =	sadd.s32 $0x1000, s25;
	_ =	sdelay $0x1  }
0x66: {  	_ =	swait.ge [sflag:s14], $0x400  }
0x67: {  	[sflag:s14] =	ssyncset.done $0x0  }
0x68: {  	s25 =	simm.s32 $0x0;
	[sflag:s14] =	ssyncadd.s32 $0xFFFFFC00  }
0x69: {  	[tilespmem:s25], [sflag:$0x3] =	stream.strided.gather [hbm4b:s9+s15], $0x2780, s16, s15, $0x38;
	[tilespmem:$0x1FB80] =	vst v63  }
0x6a: {  	_ =	swait.ge [sflag:s14], $0x2780  }
0x6b: {  	[sflag:s14] =	ssyncset.done $0x0  }
0x6c: {  	s26 =	simm.s32 $0x2780;
	[sflag:s14] =	ssyncadd.s32 $0xFFFFD880  }
0x6d: {  	[tilespmem:s26], [sflag:$0x3] =	stream.linear.gather [hbm4b:s10+s25], $0x3E80, $0x38;
	[tilespmem:$0x1FB80] =	vst v63  }
.Ltmp3:
0x6e: {  	_ =	swait.ge [sflag:s14], $0x3E80;
	(pc) =	sbr.rel .LBB2_4-.Ltmp3, $4  }
0x6f: {  	[sflag:s14] =	ssyncset.done $0x0  }
0x70: {  	[sflag:s14] =	ssyncadd.s32 $0xFFFFC180  }
0x71: {  	[bflag:$0x0] =	sbarrier.arrive $0xFFFF  }
0x72: {  	s28 =	simm.s32 $0x3D  }
.LBB2_8:
0x73: {  	[tilespmem:s18], [sflag:$0x1] =	stream.indirect.gather [hbm4b:s5+s17], $0x80, s25, s17, $0xb8;
	[tilespmem:$0x1FB80] =	vst v63  }
0x74: {  	_ = 	snop  }
0x75: {  	[tilespmem:s19], [sflag:$0x2] =	stream.indirect.gather [hbm4b:s5+s17], $0x80, s30, s17, $0xb8;
	[tilespmem:$0x1FB80] =	vst v63  }
0x76: {  	_ =	swait.ge [sflag:s20], $0x2800  }
0x77: {  	[sflag:s20] =	ssyncset.done $0x0  }
0x78: {  	[sflag:s20] =	ssyncadd.s32 $0xFFFFD800  }
0x79: {  	[spmem:s2] =	stream.indirect.scatter.add.f32 [tilespmem:s18], [sflag:$0x4], $0x80, s26, s17, $0xb8;
	[tilespmem:$0x1FB80] =	vst v63  }
0x7a: {  	_ =	swait.ge [sflag:s21], $0x2800  }
0x7b: {  	[sflag:s21] =	ssyncset.done $0x0  }
0x7c: {  	[sflag:s21] =	ssyncadd.s32 $0xFFFFD800  }
0x7d: {  	_ =	swait.ge [sflag:s22], $0x2800  }
0x7e: {  	p1 =	sne.s32 s28, $0x0;
	[sflag:s22] =	ssyncset.done $0x0  }
.Ltmp4:
0x7f: {  	[sflag:s22] =	ssyncadd.s32 $0xFFFFD800;
	(pc) =	sbr.rel @!p1 .LBB2_9-.Ltmp4, $4  }
0x80: {  	[spmem:s2] =	stream.indirect.scatter.add.f32 [tilespmem:s19], [sflag:$0x3], $0x80, s29, s17, $0xb8;
	[tilespmem:$0x1FB80] =	vst v63  }
0x81: {  	_ =	swait.ge [sflag:s14], $0x2800  }
0x82: {  	[sflag:s14] =	ssyncset.done $0x0  }
0x83: {  	[sflag:s14] =	ssyncadd.s32 $0xFFFFD800  }
.LBB2_7:
0x84: {  	s25 =	sadd.s32 $0xA0, s25;
	s28 =	sadd.s32 $0xFFFFFFFF, s28;
	s26 =	sadd.s32 $0x100, s26  }
.LBB2_4:
.Ltmp5:
0x85: {  	(pc) =	sbr.rel @p0 .LBB2_8-.Ltmp5, $2  }
0x86: {  	_ =	sdelay $0x2  }
0x87: {  	s30 =	sadd.s32 $0x50, s25;
	s29 =	sadd.s32 $0x80, s26  }
0x88: {  	[tilespmem:s18], [sflag:$0x1] =	stream.indirect.gather [hbm4b:s4+s17], $0x80, s25, s17, $0xb8;
	[tilespmem:$0x1FB80] =	vst v63  }
0x89: {  	_ = 	snop  }
0x8a: {  	[tilespmem:s19], [sflag:$0x2] =	stream.indirect.gather [hbm4b:s4+s17], $0x80, s30, s17, $0xb8;
	[tilespmem:$0x1FB80] =	vst v63  }
0x8b: {  	_ =	swait.ge [sflag:s20], $0x2800  }
0x8c: {  	[sflag:s20] =	ssyncset.done $0x0  }
0x8d: {  	[sflag:s20] =	ssyncadd.s32 $0xFFFFD800  }
0x8e: {  	[spmem:s2] =	stream.indirect.scatter.add.f32 [tilespmem:s18], [sflag:$0x4], $0x80, s26, s17, $0xb8;
	[tilespmem:$0x1FB80] =	vst v63  }
0x8f: {  	_ =	swait.ge [sflag:s21], $0x2800  }
0x90: {  	[sflag:s21] =	ssyncset.done $0x0  }
0x91: {  	[sflag:s21] =	ssyncadd.s32 $0xFFFFD800  }
0x92: {  	_ =	swait.ge [sflag:s22], $0x2800  }
0x93: {  	p1 =	seq.s32 s28, $0x0;
	[sflag:s22] =	ssyncset.done $0x0  }
.Ltmp6:
0x94: {  	[sflag:s22] =	ssyncadd.s32 $0xFFFFD800;
	(pc) =	sbr.rel @!p1 .LBB2_7-.Ltmp6, $4  }
0x95: {  	[spmem:s2] =	stream.indirect.scatter.add.f32 [tilespmem:s19], [sflag:$0x4], $0x80, s29, s17, $0xb8;
	[tilespmem:$0x1FB80] =	vst v63  }
0x96: {  	_ =	swait.ge [sflag:s21], $0x2800  }
0x97: {  	[sflag:s21] =	ssyncset.done $0x0  }
0x98: {  	[sflag:s21] =	ssyncadd.s32 $0xFFFFD800  }
.Ltmp7:
0x99: {  	(pc) =	sbr.rel .LBB2_10-.Ltmp7, $2  }
0x9a: {  	_ =	sdelay $0x2  }
0x9b: {  	s25 =	smov.u32 s6;
	s26 =	smov.u32 s4  }
.LBB2_11:
0x9c: {  	_ =	sfence.sel $0x180000  }
0x9d: {  	[bflag:$0x0] =	sbarrier.arrive $0xFFFF  }
0x9e: {  	p0 =	sne.s32 s1, $0x0;
	_ =	strace $0x90000047  }
0x9f: {  	s0 =	sadd.s32 @!p0 $0x100000, s0;
	[bflag:$0x2] =	sbarrier.arrive $0xFFFF  }
0xa0: {  	[sflag:s0] =	ssyncadd.tile.s32 @!p0 $0x1;
	_ =	shalt  }
.Lfunc_end2:
_tile_overlayer_lowered:
.L_overlay_start_2:
0xa1: {  	(tag) =	ssettag $0x2  }
0xa2: {  	s0 =	rddreg [dreg:$0x0];
	s2 =	stileid.u32  }
0xa3: {  	s1 =	rddreg [dreg:$0x1];
	p0 =	sne.s32 s2, $0x0  }
0xa4: {  	s3 =	rddreg [dreg:$0x2];
	[bflag:$0x3] =	sbarrier.arrive $0xFFFF;
	s2 =	simm.s32 @!p0 $0x1C03  }
0xa5: {  	[timem:s3], [sflag:s2] =	dma.local @!p0 [hbm:s0], s1  }
0xa6: {  	s0 =	simm.s32 @!p0 $0x3  }
0xa7: {  	_ =	swait.ge @!p0 [sflag:s0], s1  }
0xa8: {  	s1 =	ssub.s32 @!p0 $0x0, s1;
	[sflag:s0] =	ssyncset.done @!p0 $0x0  }
0xa9: {  	[sflag:s0] =	ssyncadd.s32 @!p0 s1  }
0xaa: {  	[bflag:$0x3] =	sbarrier.arrive $0xFFFF  }
0xab: {  	_ =	shalt  }

// kernel: kernel.16.cloned.1.call-start
scs
__scs_entry_jumppad:
0x0: {  	(pc) =	sbr.rel $0x88, $3  }
0x1: {  	(tag) =	ssettag $0x0;
	lr =	simm.s32 $0x1  }
0x2: {  	[smem:$0x3F8A] =	sst lr;
	_ =	strace $0xD0000000  }
0x3: {  	_ = 	snop  }
0x4: {  	_ = 	snop  }
0x5: {  	_ = 	snop  }
0x6: {  	_ = 	snop  }
0x7: {  	_ = 	snop  }
__scs_overlays_trampoline_lowered:
0x8: {  	[smem:$0x3F99] =	sst s0  }
0x9: {  	[smem:$0x3F9A] =	sst s1  }
0xa: {  	[smem:$0x3F9B] =	sst s2  }
0xb: {  	[smem:$0x3F9C] =	sst s3  }
0xc: {  	[smem:$0x3F9D] =	sst s4  }
0xd: {  	[smem:$0x3F9E] =	sst s5  }
0xe: {  	[smem:$0x3F9F] =	sst s6  }
0xf: {  	[smem:$0x3FA0] =	sst s7  }
0x10: {  	[smem:$0x3FA1] =	sst s8  }
0x11: {  	[smem:$0x3FA2] =	sst s9;
	s0 =	simm.s32 @!p0 $0x0  }
0x12: {  	s1 =	sld [smem:$0x3F88];
	s0 =	simm.s32 @p0 $0x1  }
0x13: {  	[smem:$0x3FA3] =	sst s0;
	s0 =	simm.s32 @!p1 $0x0  }
0x14: {  	s2 =	sld [smem:$0x3F87];
	s0 =	simm.s32 @p1 $0x1  }
0x15: {  	[smem:$0x3FA4] =	sst s0;
	s0 =	simm.s32 @!p2 $0x0  }
0x16: {  	s3 =	sld [smem:$0x3FDB];
	s0 =	simm.s32 @p2 $0x1  }
0x17: {  	s4 =	simm.s32 $0x1BF5;
	[smem:$0x3FA6] =	sst s0  }
0x18: {  	s0 =	sld [smem:$0x3F89];
	_ =	swait.ge [sflag:s4], $0x0  }
0x19: {  	s7 =	sld [smem:$0x3F8A]  }
0x1a: {  	s8 =	sadd.s32 $0xFFFFE003, lr  }
0x1b: {  	s9 =	sadd.s32 $0xFFFFFEF7, lr;
	s5 =	simm.s32 $0xFFFFFFFF;
	p2 =	slt.u32 s8, $0xFFFFF086  }
0x1c: {  	p1 =	slt.u32 s9, $0xF7A;
	s5 =	simm.s32 @!p2 $0x0  }
0x1d: {  	s5 =	simm.s32 @p1 $0x1;
	p0 =	seq.s32 s7, s2  }
0x1e: {  	s7 =	smul.u32 @!p0 $0xF7A, s2;
	p2 =	seq.s32 @!p0 s5, $0x0  }
0x1f: {  	s9 =	smul.u32 $0xF7A, s1;
	s8 =	simm.s32 @!p0 $0x1BF5;
	p2 =	por !p2, p0  }
0x20: {  	[sflag:s8] =	ssyncset.s32 @!p0 $0xFFFFF086;
	s6 =	sadd.s32 @!p0 s3, s7;
	s7 =	simm.s32 @!p0 $0x108  }
0x21: {  	s3 =	sadd.s32 s3, s9;
	s6 =	sadd.s32 @!p0 $0x88, s6;
	s7 =	simm.s32 @p2 $0x1082  }
0x22: {  	[simem:s7], [sflag:s8] =	dma.local @!p0 [hbm:s6], $0xF7A  }
0x23: {  	s9 =	sor.u32 $0xD0000000, s2;
	s6 =	simm.s32 $0x108;
	_ =	swait.ge @!p0 [sflag:s8], $0x0  }
0x24: {  	s3 =	sadd.s32 $0x88, s3;
	s6 =	simm.s32 @!p1 $0x1082;
	[sflag:s4] =	ssyncset.s32 $0xFFFFF086  }
0x25: {  	[simem:s6], [sflag:s4] =	dma.local [hbm:s3], $0xF7A  }
0x26: {  	[smem:$0x3F8A] =	sst s1;
	(tag) =	ssettag s2;
	_ =	strace s9  }
0x27: {  	s1 =	sld [smem:$0x3F9A]  }
0x28: {  	s2 =	sld [smem:$0x3F9B]  }
0x29: {  	s4 =	sld [smem:$0x3F9D]  }
0x2a: {  	p0 =	seq.s32 s5, $0x0;
	s5 =	sld [smem:$0x3F9E]  }
0x2b: {  	s6 =	sld [smem:$0x3F9F]  }
0x2c: {  	s7 =	sld [smem:$0x3FA0]  }
0x2d: {  	s3 =	simm.s32 $0x108;
	s8 =	sld [smem:$0x3FA1]  }
0x2e: {  	s3 =	simm.s32 @!p0 $0x1082;
	s9 =	sld [smem:$0x3FA2]  }
0x2f: {  	lr =	sadd.s32 s0, s3;
	s0 =	sld [smem:$0x3F99]  }
0x30: {  	s3 =	sld [smem:$0x3F9C]  }
0x31: {  	[smem:$0x3FA5] =	sst s10  }
0x32: {  	s10 =	sld [smem:$0x3FA3];
	_ =	sdelay $0x3  }
0x33: {  	p0 =	seq.s32 s10, $0x1;
	s10 =	sld [smem:$0x3FA5];
	_ =	sdelay $0x3  }
0x34: {  	[smem:$0x3FA5] =	sst s10  }
0x35: {  	s10 =	sld [smem:$0x3FA4];
	_ =	sdelay $0x3  }
0x36: {  	p1 =	seq.s32 s10, $0x1;
	s10 =	sld [smem:$0x3FA5];
	_ =	sdelay $0x3  }
0x37: {  	[smem:$0x3FA5] =	sst s10  }
0x38: {  	s10 =	sld [smem:$0x3FA6]  }
0x39: {  	_ = 	snop;
	(pc) =	sbr.ind lr, $3  }
0x3a: {  	_ = 	snop  }
0x3b: {  	_ = 	snop  }
0x3c: {  	p2 =	seq.s32 s10, $0x1;
	s10 =	sld [smem:$0x3FA5]  }
0x3d: {  	_ =	shalt  }
0x3e: {  	_ =	shalt  }
0x3f: {  	_ =	shalt  }
0x40: {  	_ =	shalt  }
0x41: {  	_ =	shalt  }
0x42: {  	_ =	shalt  }
0x43: {  	_ =	shalt  }
0x44: {  	_ =	shalt  }
0x45: {  	_ =	shalt  }
0x46: {  	_ =	shalt  }
0x47: {  	_ =	shalt  }
0x48: {  	_ =	shalt  }
0x49: {  	_ =	shalt  }
0x4a: {  	_ =	shalt  }
0x4b: {  	_ =	shalt  }
0x4c: {  	_ =	shalt  }
0x4d: {  	_ =	shalt  }
0x4e: {  	_ =	shalt  }
0x4f: {  	_ =	shalt  }
0x50: {  	_ =	shalt  }
0x51: {  	_ =	shalt  }
0x52: {  	_ =	shalt  }
0x53: {  	_ =	shalt  }
0x54: {  	_ =	shalt  }
0x55: {  	_ =	shalt  }
0x56: {  	_ =	shalt  }
0x57: {  	_ =	shalt  }
0x58: {  	_ =	shalt  }
0x59: {  	_ =	shalt  }
0x5a: {  	_ =	shalt  }
0x5b: {  	_ =	shalt  }
0x5c: {  	_ =	shalt  }
0x5d: {  	_ =	shalt  }
0x5e: {  	_ =	shalt  }
0x5f: {  	_ =	shalt  }
0x60: {  	_ =	shalt  }
0x61: {  	_ =	shalt  }
0x62: {  	_ =	shalt  }
0x63: {  	_ =	shalt  }
0x64: {  	_ =	shalt  }
0x65: {  	_ =	shalt  }
0x66: {  	_ =	shalt  }
0x67: {  	_ =	shalt  }
0x68: {  	_ =	shalt  }
0x69: {  	_ =	shalt  }
0x6a: {  	_ =	shalt  }
0x6b: {  	_ =	shalt  }
0x6c: {  	_ =	shalt  }
0x6d: {  	_ =	shalt  }
0x6e: {  	_ =	shalt  }
0x6f: {  	_ =	shalt  }
0x70: {  	_ =	shalt  }
0x71: {  	_ =	shalt  }
0x72: {  	_ =	shalt  }
0x73: {  	_ =	shalt  }
0x74: {  	_ =	shalt  }
0x75: {  	_ =	shalt  }
0x76: {  	_ =	shalt  }
0x77: {  	_ =	shalt  }
0x78: {  	_ =	shalt  }
0x79: {  	_ =	shalt  }
0x7a: {  	_ =	shalt  }
0x7b: {  	_ =	shalt  }
0x7c: {  	_ =	shalt  }
0x7d: {  	_ =	shalt  }
0x7e: {  	_ =	shalt  }
0x7f: {  	_ =	shalt  }
0x80: {  	_ =	shalt  }
0x81: {  	_ =	shalt  }
0x82: {  	_ =	shalt  }
0x83: {  	_ =	shalt  }
0x84: {  	_ =	shalt  }
0x85: {  	_ =	shalt  }
0x86: {  	_ =	shalt  }
0x87: {  	_ =	shalt  }
.Lfunc_end0:
.L_simem_size_0:
called_computation.2_lowered:
.L_overlay_start_0:
0x88: {  	s2 =	sld [smem:$0x3FD9]  }
0x89: {  	s3 =	sld [smem:$0x3FFE];
	_ =	sdelay $0x1  }
0x8a: {  	s1 =	srdreg.scid  }
0x8b: {  	s0 =	sand.u32 $0x1, s1  }
0x8c: {  	s17 =	sshll.u32 s0, $0xA;
	s2 =	sadd.s32 s3, s2  }
0x8d: {  	s2 =	sadd.s32 s2, s17  }
0x8e: {  	[smem:$0x3FB1] =	sst s2  }
0x8f: {  	_ = 	snop  }
0x90: {  	s2 =	sld [smem:$0x3FD0];
	(tm) =	ssettm $0x1  }
0x91: {  	s18 =	sld [smem:$0x3FFB];
	_ =	sdelay $0x3  }
0x92: {  	_ =	strace s18  }
0x93: {  	s3 =	sld [smem:$0x3FFC];
	_ =	sdelay $0x3  }
0x94: {  	_ =	strace s3  }
0x95: {  	s3 =	sld [smem:$0x3FFD];
	_ =	sdelay $0x3  }
0x96: {  	_ =	strace s3  }
0x97: {  	_ =	strace $0x8FFFFFFF  }
0x98: {  	s19 =	sld [smem:$0x3FDB];
	_ =	sdelay $0x1  }
0x99: {  	s4 =	simm.s32 $_scs_section_size  }
0x9a: {  	s5 =	simm.s32 $_size__tile_overlayer_lowered;
	s6 =	simm.s32 $_tile_overlayer_lowered  }
0x9b: {  	s22 =	simm.s32 $0x1BFF;
	s21 =	sshll.u32 s6, $0x1;
	s3 =	sadd.s32 s4, s19  }
0x9c: {  	s7 =	simm.s32 $0x0;
	s20 =	sshll.u32 s5, $0x1;
	s5 =	sadd.s32 s21, s3  }
0x9d: {  	[timem:s7], [sflag:s22] =	dma.local [hbm:s5], s20  }
0x9e: {  	_ =	swait.ge [sflag:s22], s20  }
0x9f: {  	s4 =	ssub.s32 $0x0, s20;
	[sflag:s22] =	ssyncset.done $0x0  }
0xa0: {  	[sflag:s22] =	ssyncadd.s32 s4;
	_ =	sdelay $0x1  }
0xa1: {  	s23 =	simm.s32 $0x1B8B  }
0xa2: {  	_ =	swait.ge [sflag:s23], $0x1  }
0xa3: {  	[sflag:s23] =	ssyncset.done $0x0  }
0xa4: {  	s25 =	simm.s32 $0x1B8E;
	s24 =	sld [smem:$0x3FFE];
	[sflag:s23] =	ssyncadd.s32 $0xFFFFFFFF  }
0xa5: {  	s26 =	simm.s32 $execute0_lowered;
	[smem:$0x3FD2] =	sst s25  }
0xa6: {  	s5 =	sshll.u32 s26, $0x1;
	_ =	strace $0x8000004C;
	[dreg:$0x1] =	wrdreg $0xFFFFFFFF  }
0xa7: {  	s28 =	simm.s32 $_size_execute0_lowered;
	s3 =	sadd.s32 s3, s5;
	[dreg:$0x0] =	wrdreg $0x0  }
0xa8: {  	s5 =	sshll.u32 s28, $0x1;
	[dreg:$0x2] =	wrdreg s3  }
0xa9: {  	[dreg:$0x3] =	wrdreg s5  }
0xaa: {  	[dreg:$0x4] =	wrdreg $0xC0  }
0xab: {  	_ =	task [dreg:s7], $0x5FFFF  }
0xac: {  	[dreg:$0x1] =	wrdreg $0xFFFFFFFF  }
0xad: {  	[dreg:$0x0] =	wrdreg $0x60  }
0xae: {  	[dreg:$0x2] =	wrdreg s24  }
0xaf: {  	[dreg:$0x3] =	wrdreg s2  }
0xb0: {  	[dreg:$0x4] =	wrdreg $0xBB800  }
0xb1: {  	[dreg:$0x5] =	wrdreg $0x9  }
0xb2: {  	_ =	task.clear_ibuf [dreg:s7], $0x6FFFF;
	_ =	strace $0x9000004C  }
0xb3: {  	s29 =	simm.s32 $0x9;
	_ =	strace $0x8000004E  }
0xb4: {  	_ =	swait.ge [sflag:s29], $0x1  }
0xb5: {  	[sflag:s29] =	ssyncadd.s32 $0xFFFFFFFF  }
0xb6: {  	_ =	strace $0x9000004E  }
0xb7: {  	_ =	sfence  }
0xb8: {  	s30 =	sld [smem:$0x0];
	_ =	sdelay $0x2  }
0xb9: {  	s31 =	sshll.u32 s1, $0xD;
	s1 =	sshrl.u32 s1, $0x2  }
0xba: {  	s3 =	sand.u32 $0x4000, s31;
	s1 =	sadd.s32 s1, s30  }
0xbb: {  	s0 =	sor.u32 s3, s0;
	s1 =	sshll.u32 s1, $0x11  }
0xbc: {  	s0 =	sor.u32 s1, s0  }
0xbd: {  	s0 =	sadd.s32 $0x8F2B, s0  }
0xbe: {  	[sflag:s0] =	ssyncadd.remote.s32 $0x1  }
0xbf: {  	_ =	sfence.sel $0xFFFF  }
0xc0: {  	[dreg:$0x0] =	wrdreg $0xFFFFFFFF;
	(pc) =	sbr.abs _section_cstart, $3  }
0xc1: {  	[dreg:$0x1] =	wrdreg $0xFFFFFFFF  }
0xc2: {  	_ =	task.clear_ibuf [dreg:s7], $0x2FFFF;
	_ =	strace $0x9FFFFFFF  }
0xc3: {  	(tm) =	ssettm $0x7FFFFFFF  }
tec
execute0_lowered:
.L_overlay_start_1:
0x0: {  	(tag) =	ssettag $0x1  }
0x1: {  	s7 =	rddreg [dreg:$0x0]  }
0x2: {  	s2 =	rddreg [dreg:$0x1]  }
0x3: {  	s3 =	rddreg [dreg:$0x2];
	s1 =	stileid.u32  }
0x4: {  	s0 =	rddreg [dreg:$0x3];
	s4 =	simm.s32 $0x0;
	s9 =	srdreg.scid  }
0x5: {  	s15 =	simm.s32 $0x80;
	s16 =	simm.s32 $0x400;
	s18 =	simm.s32 $0x6780  }
0x6: {  	s19 =	simm.s32 $0x8F80;
	s20 =	simm.s32 $0x1;
	s21 =	simm.s32 $0x4  }
0x7: {  	s22 =	simm.s32 $0x2;
	s23 =	simm.s32 $0x26C0;
	s24 =	simm.s32 $0x6580  }
0x8: {  	s5 =	sshrl.u32 s1, $0x3;
	[smem:$0x7FF] =	sst s4;
	s28 =	sshll.u32 s1, $0x7  }
0x9: {  	s17 =	sand.u32 $0x1, s9;
	s29 =	sshll.u32 s1, $0xB;
	s11 =	smul.u32 $0x50000, s1  }
0xa: {  	s6 =	smul.u32 $0x13C00, s5;
	_ =	strace $0x8000004D;
	s8 =	sand.u32 $0x380, s28  }
0xb: {  	s5 =	sadd.s32 $0x12400, s7;
	s10 =	ssub.s32 $0x2, s17;
	s13 =	sadd.s32 s29, s7  }
0xc: {  	p0 =	sne.s32 s17, $0x0;
	s31 =	sshrl.u32 s11, $0x2;
	s11 =	smul.u32 $0x2800, s1  }
.Ltmp0:
0xd: {  	s17 =	simm.s32 $0x50;
	s30 =	sshrl.u32 s10, $0x1;
	(pc) =	sbr.rel .LBB2_1-.Ltmp0, $4  }
0xe: {  	s8 =	sor.u32 s8, s6;
	s6 =	sadd.s32 $0x39600, s7;
	s14 =	ssub.s32 s10, s30  }
0xf: {  	s10 =	sadd.s32 $0x5400, s13;
	s13 =	simm.s32 $0xB780;
	s8 =	sshrl.u32 s8, $0x3  }
0x10: {  	s12 =	sadd.s32 s8, s7;
	s7 =	sadd.s32 $0x60800, s7;
	s8 =	sadd.s32 s31, s3  }
0x11: {  	v0 =	vimm.f32 $0.0e+00;
	s9 =	sadd.s32 $0xD400, s12;
	s12 =	smax.u32 s14, $0x1;
	s14 =	simm.s32 $0x3  }
.LBB2_9:
0x12: {  	s25 =	smov.u32 s7;
	s26 =	smov.u32 s6  }
.LBB2_10:
0x13: {  	[tilespmem:s18], [sflag:$0x1] =	stream.indirect.gather [hbm4b:s26+s17], $0x80, s23, s17, $0xb8;
	[tilespmem:$0x1FB80] =	vst v63  }
0x14: {  	_ =	swait.ge [sflag:s20], $0x2800  }
0x15: {  	[sflag:s20] =	ssyncset.done $0x0  }
0x16: {  	[sflag:s20] =	ssyncadd.s32 $0xFFFFD800  }
0x17: {  	[spmem:s3] =	stream.indirect.scatter.add.f32 [tilespmem:s18], [sflag:$0x3], $0x80, s24, s17, $0xb8;
	[tilespmem:$0x1FB80] =	vst v63  }
0x18: {  	s31 =	sshll.u32 s1, $0x6;
	_ =	swait.ge [sflag:s14], $0x2800  }
0x19: {  	s25 =	sadd.s32 s25, s11;
	s4 =	sadd.s32 $0x1, s4;
	[sflag:s14] =	ssyncset.done $0x0  }
0x1a: {  	s28 =	sshrl.u32 s8, $0x3;
	p1 =	sne.s32 s4, s12;
	[sflag:s14] =	ssyncadd.s32 $0xFFFFD800  }
.Ltmp1:
0x1b: {  	s26 =	sor.u32 $0x1C03, s31;
	[bflag:$0x0] =	sbarrier.arrive $0xFFFF;
	(pc) =	sbr.rel @!p1 .LBB2_11-.Ltmp1, $4  }
0x1c: {  	[hbm:s25], [sflag:s26] =	dma.local [spmem:s28], $0x2800  }
0x1d: {  	_ =	swait.ge [sflag:s14], $0x2800  }
0x1e: {  	[sflag:s14] =	ssyncset.done $0x0  }
0x1f: {  	[sflag:s14] =	ssyncadd.s32 $0xFFFFD800  }
.LBB2_1:
0x20: {  	[tilespmem:$0xB780] =	vst v0  }
0x21: {  	[tilespmem:$0xB790] =	vst v0  }
0x22: {  	[tilespmem:$0xB7A0] =	vst v0  }
0x23: {  	[tilespmem:$0xB7B0] =	vst v0  }
0x24: {  	[tilespmem:$0xB7C0] =	vst v0  }
0x25: {  	[tilespmem:$0xB7D0] =	vst v0  }
0x26: {  	[tilespmem:$0xB7E0] =	vst v0  }
0x27: {  	[tilespmem:$0xB7F0] =	vst v0  }
0x28: {  	[tilespmem:$0xB800] =	vst v0  }
0x29: {  	[tilespmem:$0xB810] =	vst v0  }
0x2a: {  	[tilespmem:$0xB820] =	vst v0  }
0x2b: {  	[tilespmem:$0xB830] =	vst v0  }
0x2c: {  	[tilespmem:$0xB840] =	vst v0  }
0x2d: {  	[tilespmem:$0xB850] =	vst v0  }
0x2e: {  	[tilespmem:$0xB860] =	vst v0  }
0x2f: {  	[tilespmem:$0xB870] =	vst v0  }
0x30: {  	[tilespmem:$0xB880] =	vst v0  }
0x31: {  	[tilespmem:$0xB890] =	vst v0  }
0x32: {  	[tilespmem:$0xB8A0] =	vst v0  }
0x33: {  	[tilespmem:$0xB8B0] =	vst v0  }
0x34: {  	[tilespmem:$0xB8C0] =	vst v0  }
0x35: {  	[tilespmem:$0xB8D0] =	vst v0  }
0x36: {  	[tilespmem:$0xB8E0] =	vst v0  }
0x37: {  	[tilespmem:$0xB8F0] =	vst v0  }
0x38: {  	[tilespmem:$0xB900] =	vst v0  }
0x39: {  	[tilespmem:$0xB910] =	vst v0  }
0x3a: {  	[tilespmem:$0xB920] =	vst v0  }
0x3b: {  	[tilespmem:$0xB930] =	vst v0  }
0x3c: {  	[tilespmem:$0xB940] =	vst v0  }
0x3d: {  	[tilespmem:$0xB950] =	vst v0  }
0x3e: {  	[tilespmem:$0xB960] =	vst v0  }
0x3f: {  	[tilespmem:$0xB970] =	vst v0  }
0x40: {  	[tilespmem:$0xB980] =	vst v0  }
0x41: {  	[tilespmem:$0xB990] =	vst v0  }
0x42: {  	[tilespmem:$0xB9A0] =	vst v0  }
0x43: {  	[tilespmem:$0xB9B0] =	vst v0  }
0x44: {  	[tilespmem:$0xB9C0] =	vst v0  }
0x45: {  	[tilespmem:$0xB9D0] =	vst v0  }
0x46: {  	[tilespmem:$0xB9E0] =	vst v0  }
0x47: {  	[tilespmem:$0xB9F0] =	vst v0  }
0x48: {  	[tilespmem:$0xBA00] =	vst v0  }
0x49: {  	[tilespmem:$0xBA10] =	vst v0  }
0x4a: {  	[tilespmem:$0xBA20] =	vst v0  }
0x4b: {  	[tilespmem:$0xBA30] =	vst v0  }
0x4c: {  	[tilespmem:$0xBA40] =	vst v0  }
0x4d: {  	[tilespmem:$0xBA50] =	vst v0  }
0x4e: {  	[tilespmem:$0xBA60] =	vst v0  }
0x4f: {  	[tilespmem:$0xBA70] =	vst v0  }
0x50: {  	[tilespmem:$0xBA80] =	vst v0  }
0x51: {  	[tilespmem:$0xBA90] =	vst v0  }
0x52: {  	[tilespmem:$0xBAA0] =	vst v0  }
0x53: {  	[tilespmem:$0xBAB0] =	vst v0  }
0x54: {  	[tilespmem:$0xBAC0] =	vst v0  }
0x55: {  	[tilespmem:$0xBAD0] =	vst v0  }
0x56: {  	[tilespmem:$0xBAE0] =	vst v0  }
0x57: {  	[tilespmem:$0xBAF0] =	vst v0  }
0x58: {  	[tilespmem:$0xBB00] =	vst v0  }
0x59: {  	[tilespmem:$0xBB10] =	vst v0  }
0x5a: {  	[tilespmem:$0xBB20] =	vst v0  }
0x5b: {  	[tilespmem:$0xBB30] =	vst v0  }
0x5c: {  	[tilespmem:$0xBB40] =	vst v0  }
0x5d: {  	[tilespmem:$0xBB50] =	vst v0  }
0x5e: {  	[tilespmem:$0xBB60] =	vst v0  }
0x5f: {  	[tilespmem:$0xBB70] =	vst v0;
	s25 =	sadd.s32 $0x0, s8  }
0x60: {  	[spmem:s25] =	stream.linear.scatter [tilespmem:s13], [sflag:$0x3], $0x400, $0x38;
	[tilespmem:$0x1FB80] =	vst v63  }
0x61: {  	s25 =	simm.s32 $0x1000;
	_ =	swait.ge [sflag:s14], $0x400  }
.LBB2_2:
0x62: {  	s26 =	sshra.s32 s25, $0x2;
	[sflag:s14] =	ssyncset.done $0x0;
	p1 =	sne.s32 s25, $0x4F000  }
.Ltmp2:
0x63: {  	s26 =	sadd.s32 s26, s8;
	[sflag:s14] =	ssyncadd.s32 $0xFFFFFC00;
	(pc) =	sbr.rel @p1 .LBB2_2-.Ltmp2, $3  }
0x64: {  	[spmem:s26] =	stream.linear.scatter [tilespmem:s13], [sflag:$0x3], $0x400, $0x38;
	[tilespmem:$0x1FB80] =	vst v63  }
0x65: {  	s25 =	sadd.s32 $0x1000, s25;
	_ =	sdelay $0x1  }
0x66: {  	_ =	swait.ge [sflag:s14], $0x400  }
0x67: {  	[sflag:s14] =	ssyncset.done $0x0  }
0x68: {  	s25 =	simm.s32 $0x0;
	[sflag:s14] =	ssyncadd.s32 $0xFFFFFC00  }
0x69: {  	[tilespmem:s25], [sflag:$0x3] =	stream.strided.gather [hbm4b:s9+s15], $0x2780, s16, s15, $0x38;
	[tilespmem:$0x1FB80] =	vst v63  }
0x6a: {  	_ =	swait.ge [sflag:s14], $0x2780  }
0x6b: {  	[sflag:s14] =	ssyncset.done $0x0  }
0x6c: {  	s26 =	simm.s32 $0x2780;
	[sflag:s14] =	ssyncadd.s32 $0xFFFFD880  }
0x6d: {  	[tilespmem:s26], [sflag:$0x3] =	stream.linear.gather [hbm4b:s10+s25], $0x3E80, $0x38;
	[tilespmem:$0x1FB80] =	vst v63  }
.Ltmp3:
0x6e: {  	_ =	swait.ge [sflag:s14], $0x3E80;
	(pc) =	sbr.rel .LBB2_4-.Ltmp3, $4  }
0x6f: {  	[sflag:s14] =	ssyncset.done $0x0  }
0x70: {  	[sflag:s14] =	ssyncadd.s32 $0xFFFFC180  }
0x71: {  	[bflag:$0x0] =	sbarrier.arrive $0xFFFF  }
0x72: {  	s28 =	simm.s32 $0x3D  }
.LBB2_8:
0x73: {  	[tilespmem:s18], [sflag:$0x1] =	stream.indirect.gather [hbm4b:s6+s17], $0x80, s25, s17, $0xb8;
	[tilespmem:$0x1FB80] =	vst v63  }
0x74: {  	_ = 	snop  }
0x75: {  	[tilespmem:s19], [sflag:$0x2] =	stream.indirect.gather [hbm4b:s6+s17], $0x80, s30, s17, $0xb8;
	[tilespmem:$0x1FB80] =	vst v63  }
0x76: {  	_ =	swait.ge [sflag:s20], $0x2800  }
0x77: {  	[sflag:s20] =	ssyncset.done $0x0  }
0x78: {  	[sflag:s20] =	ssyncadd.s32 $0xFFFFD800  }
0x79: {  	[spmem:s3] =	stream.indirect.scatter.add.f32 [tilespmem:s18], [sflag:$0x4], $0x80, s26, s17, $0xb8;
	[tilespmem:$0x1FB80] =	vst v63  }
0x7a: {  	_ =	swait.ge [sflag:s21], $0x2800  }
0x7b: {  	[sflag:s21] =	ssyncset.done $0x0  }
0x7c: {  	[sflag:s21] =	ssyncadd.s32 $0xFFFFD800  }
0x7d: {  	_ =	swait.ge [sflag:s22], $0x2800  }
0x7e: {  	p1 =	sne.s32 s28, $0x0;
	[sflag:s22] =	ssyncset.done $0x0  }
.Ltmp4:
0x7f: {  	[sflag:s22] =	ssyncadd.s32 $0xFFFFD800;
	(pc) =	sbr.rel @!p1 .LBB2_9-.Ltmp4, $4  }
0x80: {  	[spmem:s3] =	stream.indirect.scatter.add.f32 [tilespmem:s19], [sflag:$0x3], $0x80, s29, s17, $0xb8;
	[tilespmem:$0x1FB80] =	vst v63  }
0x81: {  	_ =	swait.ge [sflag:s14], $0x2800  }
0x82: {  	[sflag:s14] =	ssyncset.done $0x0  }
0x83: {  	[sflag:s14] =	ssyncadd.s32 $0xFFFFD800  }
.LBB2_7:
0x84: {  	s25 =	sadd.s32 $0xA0, s25;
	s28 =	sadd.s32 $0xFFFFFFFF, s28;
	s26 =	sadd.s32 $0x100, s26  }
.LBB2_4:
.Ltmp5:
0x85: {  	(pc) =	sbr.rel @p0 .LBB2_8-.Ltmp5, $2  }
0x86: {  	_ =	sdelay $0x2  }
0x87: {  	s30 =	sadd.s32 $0x50, s25;
	s29 =	sadd.s32 $0x80, s26  }
0x88: {  	[tilespmem:s18], [sflag:$0x1] =	stream.indirect.gather [hbm4b:s5+s17], $0x80, s25, s17, $0xb8;
	[tilespmem:$0x1FB80] =	vst v63  }
0x89: {  	_ = 	snop  }
0x8a: {  	[tilespmem:s19], [sflag:$0x2] =	stream.indirect.gather [hbm4b:s5+s17], $0x80, s30, s17, $0xb8;
	[tilespmem:$0x1FB80] =	vst v63  }
0x8b: {  	_ =	swait.ge [sflag:s20], $0x2800  }
0x8c: {  	[sflag:s20] =	ssyncset.done $0x0  }
0x8d: {  	[sflag:s20] =	ssyncadd.s32 $0xFFFFD800  }
0x8e: {  	[spmem:s3] =	stream.indirect.scatter.add.f32 [tilespmem:s18], [sflag:$0x4], $0x80, s26, s17, $0xb8;
	[tilespmem:$0x1FB80] =	vst v63  }
0x8f: {  	_ =	swait.ge [sflag:s21], $0x2800  }
0x90: {  	[sflag:s21] =	ssyncset.done $0x0  }
0x91: {  	[sflag:s21] =	ssyncadd.s32 $0xFFFFD800  }
0x92: {  	_ =	swait.ge [sflag:s22], $0x2800  }
0x93: {  	p1 =	seq.s32 s28, $0x0;
	[sflag:s22] =	ssyncset.done $0x0  }
.Ltmp6:
0x94: {  	[sflag:s22] =	ssyncadd.s32 $0xFFFFD800;
	(pc) =	sbr.rel @!p1 .LBB2_7-.Ltmp6, $4  }
0x95: {  	[spmem:s3] =	stream.indirect.scatter.add.f32 [tilespmem:s19], [sflag:$0x4], $0x80, s29, s17, $0xb8;
	[tilespmem:$0x1FB80] =	vst v63  }
0x96: {  	_ =	swait.ge [sflag:s21], $0x2800  }
0x97: {  	[sflag:s21] =	ssyncset.done $0x0  }
0x98: {  	[sflag:s21] =	ssyncadd.s32 $0xFFFFD800  }
.Ltmp7:
0x99: {  	(pc) =	sbr.rel .LBB2_10-.Ltmp7, $2  }
0x9a: {  	_ =	sdelay $0x2  }
0x9b: {  	s25 =	smov.u32 s2;
	s26 =	smov.u32 s5  }
.LBB2_11:
0x9c: {  	_ =	sfence.sel $0x180000  }
0x9d: {  	[bflag:$0x0] =	sbarrier.arrive $0xFFFF  }
0x9e: {  	p0 =	sne.s32 s1, $0x0;
	_ =	strace $0x9000004D  }
0x9f: {  	s0 =	sadd.s32 @!p0 $0x100000, s0;
	[bflag:$0x2] =	sbarrier.arrive $0xFFFF  }
0xa0: {  	[sflag:s0] =	ssyncadd.tile.s32 @!p0 $0x1;
	_ =	shalt  }
.Lfunc_end2:
_tile_overlayer_lowered:
.L_overlay_start_2:
0xa1: {  	(tag) =	ssettag $0x2  }
0xa2: {  	s0 =	rddreg [dreg:$0x0];
	s2 =	stileid.u32  }
0xa3: {  	s1 =	rddreg [dreg:$0x1];
	p0 =	sne.s32 s2, $0x0  }
0xa4: {  	s3 =	rddreg [dreg:$0x2];
	[bflag:$0x3] =	sbarrier.arrive $0xFFFF;
	s2 =	simm.s32 @!p0 $0x1C03  }
0xa5: {  	[timem:s3], [sflag:s2] =	dma.local @!p0 [hbm:s0], s1  }
0xa6: {  	s0 =	simm.s32 @!p0 $0x3  }
0xa7: {  	_ =	swait.ge @!p0 [sflag:s0], s1  }
0xa8: {  	s1 =	ssub.s32 @!p0 $0x0, s1;
	[sflag:s0] =	ssyncset.done @!p0 $0x0  }
0xa9: {  	[sflag:s0] =	ssyncadd.s32 @!p0 s1  }
0xaa: {  	[bflag:$0x3] =	sbarrier.arrive $0xFFFF  }
0xab: {  	_ =	shalt  }

</sc_bundles>
